<compile_context>
chip_gen: v7x
topology: tpu7x:2x2x1
jax: 0.10.2.dev20260603
libtpu: 0.0.44.dev20260713+nightly
codegen_flags: <defaults>
</compile_context>

<pallas_src>
import functools

import jax
import jax.numpy as jnp
from jax import lax
from jax.experimental import pallas as pl
from jax.experimental.pallas import tpu as pltpu
from jax.experimental.pallas import tpu_sc as plsc

_B = 16384
_G = 26
_D = 128
_BG = _B * _G
_NC = 2
_NS = 16
_NW = _NC * _NS
_CHUNK = 128
_NBANK = 4
_ROWS_W = _BG // _NW
_NCHUNK = _ROWS_W // _CHUNK
_NITER = _NCHUNK // _NBANK
_MBLK = 1024

def _sc_gather(x3d, table):
    mesh = plsc.VectorSubcoreMesh(core_axis_name="c", subcore_axis_name="s")

    @functools.partial(
        pl.kernel,
        out_type=jax.ShapeDtypeStruct((_BG, _D), jnp.float32),
        mesh=mesh,
        scratch_types=[
            pltpu.VMEM((_NCHUNK, _CHUNK), jnp.int32),
            pltpu.VMEM((_NBANK, _CHUNK, _D), jnp.float32),
            [pltpu.SemaphoreType.DMA] * _NBANK,
            [pltpu.SemaphoreType.DMA] * _NBANK,
        ],
    )
    def gather_kernel(x_hbm, tab_hbm, out_hbm, idx_v, rows_v, sem_g, sem_w):
        wid = lax.axis_index("s") * _NC + lax.axis_index("c")
        pltpu.sync_copy(x_hbm.at[wid], idx_v)
        row0 = wid * _ROWS_W

        def fire_gather(j, b):
            pltpu.async_copy(tab_hbm.at[idx_v.at[j]], rows_v.at[b], sem_g[b])

        def wait_gather(b):
            pltpu.make_async_copy(
                tab_hbm.at[pl.ds(0, _CHUNK)], rows_v.at[b], sem_g[b]).wait()

        def fire_write(j, b):
            pltpu.async_copy(
                rows_v.at[b],
                out_hbm.at[pl.ds(row0 + j * _CHUNK, _CHUNK)],
                sem_w[b])

        def wait_write(b):
            pltpu.make_async_copy(
                rows_v.at[b], out_hbm.at[pl.ds(0, _CHUNK)], sem_w[b]).wait()

        def turn(t, carry):
            for i in range(_NBANK):
                c = _NBANK * t + i

                @pl.when(t >= 1)
                def _():
                    wait_write(i)
                fire_gather(c, i)

                if i == 0:
                    @pl.when(t >= 1)
                    def _():
                        wait_gather(_NBANK - 1)
                        fire_write(_NBANK * t - 1, _NBANK - 1)
                else:
                    wait_gather(i - 1)
                    fire_write(c - 1, i - 1)
            return carry

        lax.fori_loop(0, _NITER, turn, 0)
        wait_gather(_NBANK - 1)
        fire_write(_NCHUNK - 1, _NBANK - 1)
        for i in range(_NBANK):
            wait_write(i)

    return gather_kernel(x3d, table)


def _mm_body(x_ref, w_ref, o_ref):
    acc = None
    for g in range(_G):
        xb = x_ref[g].astype(jnp.bfloat16)
        wb = w_ref[:, g * _D:(g + 1) * _D].astype(jnp.bfloat16)
        p = lax.dot_general(
            xb, wb, (((1,), (1,)), ((), ())),
            preferred_element_type=jnp.float32)
        acc = p if acc is None else acc + p
    o_ref[...] = acc


def _mm(emb_gm, w):
    emb3 = emb_gm.reshape(_G, _B, _D)
    return pl.pallas_call(
        _mm_body,
        grid=(_B // _MBLK,),
        in_specs=[
            pl.BlockSpec((_G, _MBLK, _D), lambda i: (0, i, 0)),
            pl.BlockSpec((_D, _G * _D), lambda i: (0, 0)),
        ],
        out_specs=pl.BlockSpec((_MBLK, _D), lambda i: (i, 0)),
        out_shape=jax.ShapeDtypeStruct((_B, _D), jnp.float32),
    )(emb3, w)


def kernel(x, table, W):
    x3d = x.T.reshape(_NW, _NCHUNK, _CHUNK)
    emb_gm = _sc_gather(x3d, table)
    return _mm(emb_gm, W)

# --- scband reference (transcript-rebuilt; emitter-appended) ---
"""Pipeline reference for scband-group-embedding-13357348291306 (READ-ONLY COPY).

The authoritative reference and input builder live on the scoring server;
editing this copy changes nothing except your own understanding.
"""

import jax, jax.numpy as jnp
import numpy as np

N_TOKENS = 1000000
N_GROUPS = 26
INNER_DIM = 128
OUT_DIM = 128
BATCH = 16384

def setup_inputs(seed: int = 0) -> dict:
    key = jax.random.key(seed)
    k1, k2, k3 = jax.random.split(key, 3)
    x = jax.random.randint(k1, (BATCH, N_GROUPS), 0, N_TOKENS, dtype=jnp.int64 if jax.config.jax_enable_x64 else jnp.int32).astype(jnp.int32)
    # embedding table initialized like nn.Embedding (normal(0,1))
    table = jax.random.normal(k2, (N_TOKENS, INNER_DIM), dtype=jnp.float32)
    # linear weight like nn.Linear: uniform(-1/sqrt(fan_in), 1/sqrt(fan_in)), shape [out, in]
    fan_in = N_GROUPS * INNER_DIM
    bound = 1.0 / np.sqrt(fan_in)
    W = jax.random.uniform(k3, (OUT_DIM, fan_in), dtype=jnp.float32, minval=-bound, maxval=bound)
    return {"x": x, "table": table, "W": W}

def reference(x, table, W):
    # emb = self.embedding(x)
    emb = jnp.take(table, x, axis=0)  # [B, n_groups, inner_dim]
    # flatten last two dims: [B, n_groups * inner_dim]
    flat = emb.reshape(emb.shape[0], N_GROUPS * INNER_DIM)
    # proj (no bias): flat @ W.T
    out = flat @ W.T  # [B, out_dim]
    return out

if __name__ == "__main__":
    import jax
    _d = setup_inputs()
    print(jax.jit(kernel)(*tuple(_d.values())))

</pallas_src>

<mosaic_0001>
#map = affine_map<(d0, d1) -> (0, 0, 0)>
#map1 = affine_map<(d0, d1) -> (0, 0)>
module attributes {stable_mosaic.version = 14 : i64} {
  func.func @gather_kernel(%arg0: i32, %arg1: i32, %arg2: memref<32x104x128xi32, #tpu.memory_space<hbm>>, %arg3: memref<1000000x128xf32, #tpu.memory_space<hbm>>, %arg4: memref<425984x128xf32, #tpu.memory_space<hbm>>, %arg5: memref<104x128xi32, #tpu.memory_space<vmem>>, %arg6: memref<4x128x128xf32, #tpu.memory_space<vmem>>, %arg7: memref<!tpu.dma_semaphore, #tpu.memory_space<semaphore_mem>>, %arg8: memref<!tpu.dma_semaphore, #tpu.memory_space<semaphore_mem>>, %arg9: memref<!tpu.dma_semaphore, #tpu.memory_space<semaphore_mem>>, %arg10: memref<!tpu.dma_semaphore, #tpu.memory_space<semaphore_mem>>, %arg11: memref<!tpu.dma_semaphore, #tpu.memory_space<semaphore_mem>>, %arg12: memref<!tpu.dma_semaphore, #tpu.memory_space<semaphore_mem>>, %arg13: memref<!tpu.dma_semaphore, #tpu.memory_space<semaphore_mem>>, %arg14: memref<!tpu.dma_semaphore, #tpu.memory_space<semaphore_mem>>) attributes {dimension_semantics = [#tpu.dimension_semantics<core_parallel>, #tpu.dimension_semantics<subcore_parallel>], iteration_bounds = array<i64: 2, 16>, scalar_prefetch = 0 : i64, scratch_operands = 10 : i64, tpu.core_type = #tpu.core_type<sc_vector_subcore>, window_params = [{transform_indices = #map}, {transform_indices = #map1}, {transform_indices = #map1}]} {
    %mul3A = arith.constant 2 : i32
    %mul3A_0 = arith.muli %arg1, %mul3A : i32
    %add3A = arith.addi %mul3A_0, %arg0 : i32
    "tpu.region"() ({
      %run_scoped3A = tpu.sem_alloc : memref<!tpu.dma_semaphore, #tpu.memory_space<semaphore_mem>>
      %dma_start3A_96 = arith.constant 0 : i32
      %dma_start3A_97 = arith.constant 0 : i32
      %dma_start3A_98 = tpu.memref_slice %arg2[%add3A, %dma_start3A_96, %dma_start3A_97] : memref<32x104x128xi32, #tpu.memory_space<hbm>> -> memref<1x104x128xi32, #tpu.memory_space<hbm>>
      %dma_start3A_99 = tpu.memref_squeeze %dma_start3A_98 : memref<1x104x128xi32, #tpu.memory_space<hbm>> -> memref<104x128xi32, #tpu.memory_space<hbm>>
      %dma_start3A_100 = arith.constant 0 : i32
      %dma_start3A_101 = arith.constant 0 : i32
      %dma_start3A_102 = tpu.memref_slice %arg2[%add3A, %dma_start3A_100, %dma_start3A_101] : memref<32x104x128xi32, #tpu.memory_space<hbm>> -> memref<1x104x128xi32, #tpu.memory_space<hbm>>
      %dma_start3A_103 = tpu.memref_squeeze %dma_start3A_102 : memref<1x104x128xi32, #tpu.memory_space<hbm>> -> memref<104x128xi32, #tpu.memory_space<hbm>>
      tpu.enqueue_dma source(%dma_start3A_103 : memref<104x128xi32, #tpu.memory_space<hbm>>) target(%arg5 : memref<104x128xi32, #tpu.memory_space<vmem>>) target_semaphore(%run_scoped3A : memref<!tpu.dma_semaphore, #tpu.memory_space<semaphore_mem>>)
      %dma_wait3A_104 = arith.constant 0 : i32
      %dma_wait3A_105 = arith.constant 0 : i32
      %dma_wait3A_106 = tpu.memref_slice %arg2[%add3A, %dma_wait3A_104, %dma_wait3A_105] : memref<32x104x128xi32, #tpu.memory_space<hbm>> -> memref<1x104x128xi32, #tpu.memory_space<hbm>>
      %dma_wait3A_107 = tpu.memref_squeeze %dma_wait3A_106 : memref<1x104x128xi32, #tpu.memory_space<hbm>> -> memref<104x128xi32, #tpu.memory_space<hbm>>
      %dma_wait3A_108 = arith.constant 0 : i32
      %dma_wait3A_109 = arith.constant 0 : i32
      %dma_wait3A_110 = tpu.memref_slice %arg2[%add3A, %dma_wait3A_108, %dma_wait3A_109] : memref<32x104x128xi32, #tpu.memory_space<hbm>> -> memref<1x104x128xi32, #tpu.memory_space<hbm>>
      %dma_wait3A_111 = tpu.memref_squeeze %dma_wait3A_110 : memref<1x104x128xi32, #tpu.memory_space<hbm>> -> memref<104x128xi32, #tpu.memory_space<hbm>>
      tpu.wait_dma2 semaphore(%run_scoped3A : memref<!tpu.dma_semaphore, #tpu.memory_space<semaphore_mem>>) src(%dma_wait3A_111 : memref<104x128xi32, #tpu.memory_space<hbm>>) dst(%arg5 : memref<104x128xi32, #tpu.memory_space<vmem>>)
      tpu.yield
    }) : () -> ()
    %mul3A_1 = arith.constant 13312 : i32
    %mul3A_2 = arith.muli %add3A, %mul3A_1 : i32
    %scan3A = arith.constant 0 : i32
    %scan3A_3 = arith.constant 0 : i32
    %scan3A_4 = arith.constant 26 : i32
    %scan3A_5 = arith.addi %scan3A_3, %scan3A_4 : i32
    %scan3A_6 = arith.constant 1 : i32
    scf.for %scan3A_96 = %scan3A_3 to %scan3A_5 step %scan3A_6  : i32 {
      %mul3A_97 = arith.constant 4 : i32
      %mul3A_98 = arith.muli %mul3A_97, %scan3A_96 : i32
      %add3A_99 = arith.constant 0 : i32
      %add3A_100 = arith.addi %mul3A_98, %add3A_99 : i32
      %ge3A = arith.constant 1 : i32
      %ge3A_101 = arith.cmpi sge, %scan3A_96, %ge3A : i32
      %convert_element_type3A = arith.extui %ge3A_101 : i1 to i32
      %cond3A = arith.constant 0 : i32
      %cond3A_102 = arith.cmpi ne, %convert_element_type3A, %cond3A : i32
      scf.if %cond3A_102 {
        %dma_wait3A_277 = arith.constant 0 : i32
        %dma_wait3A_278 = arith.constant 0 : i32
        %dma_wait3A_279 = arith.constant 0 : i32
        %dma_wait3A_280 = tpu.memref_slice %arg6[%dma_wait3A_277, %dma_wait3A_278, %dma_wait3A_279] : memref<4x128x128xf32, #tpu.memory_space<vmem>> -> memref<1x128x128xf32, #tpu.memory_space<vmem>>
        %dma_wait3A_281 = tpu.memref_squeeze %dma_wait3A_280 : memref<1x128x128xf32, #tpu.memory_space<vmem>> -> memref<128x128xf32, #tpu.memory_space<vmem>>
        %dma_wait3A_282 = arith.constant 0 : i32
        %dma_wait3A_283 = arith.constant 0 : i32
        %dma_wait3A_284 = tpu.memref_slice %arg4[%dma_wait3A_282, %dma_wait3A_283] : memref<425984x128xf32, #tpu.memory_space<hbm>> -> memref<128x128xf32, #tpu.memory_space<hbm>>
        %dma_wait3A_285 = arith.constant 0 : i32
        %dma_wait3A_286 = arith.constant 0 : i32
        %dma_wait3A_287 = tpu.memref_slice %arg4[%dma_wait3A_285, %dma_wait3A_286] : memref<425984x128xf32, #tpu.memory_space<hbm>> -> memref<128x128xf32, #tpu.memory_space<hbm>>
        %dma_wait3A_288 = arith.constant 0 : i32
        %dma_wait3A_289 = arith.constant 0 : i32
        %dma_wait3A_290 = tpu.memref_slice %arg6[%dma_wait3A_277, %dma_wait3A_288, %dma_wait3A_289] : memref<4x128x128xf32, #tpu.memory_space<vmem>> -> memref<1x128x128xf32, #tpu.memory_space<vmem>>
        %dma_wait3A_291 = tpu.memref_squeeze %dma_wait3A_290 : memref<1x128x128xf32, #tpu.memory_space<vmem>> -> memref<128x128xf32, #tpu.memory_space<vmem>>
        tpu.wait_dma2 semaphore(%arg11 : memref<!tpu.dma_semaphore, #tpu.memory_space<semaphore_mem>>) src(%dma_wait3A_291 : memref<128x128xf32, #tpu.memory_space<vmem>>) dst(%dma_wait3A_287 : memref<128x128xf32, #tpu.memory_space<hbm>>)
      } else {
      }
      %dma_start3A_103 = arith.constant 0 : i32
      %dma_start3A_104 = arith.constant 0 : i32
      %dma_start3A_105 = arith.constant 0 : i32
      %dma_start3A_106 = tpu.memref_slice %arg6[%dma_start3A_103, %dma_start3A_104, %dma_start3A_105] : memref<4x128x128xf32, #tpu.memory_space<vmem>> -> memref<1x128x128xf32, #tpu.memory_space<vmem>>
      %dma_start3A_107 = tpu.memref_squeeze %dma_start3A_106 : memref<1x128x128xf32, #tpu.memory_space<vmem>> -> memref<128x128xf32, #tpu.memory_space<vmem>>
      %dma_start3A_108 = arith.constant 0 : i32
      %dma_start3A_109 = tpu.memref_slice %arg5[%add3A_100, %dma_start3A_108] : memref<104x128xi32, #tpu.memory_space<vmem>> -> memref<1x128xi32, #tpu.memory_space<vmem>>
      %dma_start3A_110 = tpu.memref_squeeze %dma_start3A_109 : memref<1x128xi32, #tpu.memory_space<vmem>> -> memref<128xi32, #tpu.memory_space<vmem>>
      %dma_start3A_111 = arith.constant 0 : i32
      %dma_start3A_112 = arith.constant 0 : i32
      %dma_start3A_113 = tpu.memref_slice %arg3[%dma_start3A_111, %dma_start3A_112] : memref<1000000x128xf32, #tpu.memory_space<hbm>> -> memref<1000000x128xf32, #tpu.memory_space<hbm>>
      tpu.enqueue_indirect_dma source(%dma_start3A_113 : memref<1000000x128xf32, #tpu.memory_space<hbm>>) target(%dma_start3A_107 : memref<128x128xf32, #tpu.memory_space<vmem>>) offsets(%dma_start3A_110 : memref<128xi32, #tpu.memory_space<vmem>>) semaphore(%arg7 : memref<!tpu.dma_semaphore, #tpu.memory_space<semaphore_mem>>)
      %ge3A_114 = arith.constant 1 : i32
      %ge3A_115 = arith.cmpi sge, %scan3A_96, %ge3A_114 : i32
      %convert_element_type3A_116 = arith.extui %ge3A_115 : i1 to i32
      %cond3A_117 = arith.constant 0 : i32
      %cond3A_118 = arith.cmpi ne, %convert_element_type3A_116, %cond3A_117 : i32
      scf.if %cond3A_118 {
        %dma_wait3A_277 = arith.constant 3 : i32
        %dma_wait3A_278 = arith.constant 0 : i32
        %dma_wait3A_279 = arith.constant 0 : i32
        %dma_wait3A_280 = tpu.memref_slice %arg6[%dma_wait3A_277, %dma_wait3A_278, %dma_wait3A_279] : memref<4x128x128xf32, #tpu.memory_space<vmem>> -> memref<1x128x128xf32, #tpu.memory_space<vmem>>
        %dma_wait3A_281 = tpu.memref_squeeze %dma_wait3A_280 : memref<1x128x128xf32, #tpu.memory_space<vmem>> -> memref<128x128xf32, #tpu.memory_space<vmem>>
        %dma_wait3A_282 = arith.constant 0 : i32
        %dma_wait3A_283 = arith.constant 0 : i32
        %dma_wait3A_284 = tpu.memref_slice %arg3[%dma_wait3A_282, %dma_wait3A_283] : memref<1000000x128xf32, #tpu.memory_space<hbm>> -> memref<128x128xf32, #tpu.memory_space<hbm>>
        %dma_wait3A_285 = arith.constant 0 : i32
        %dma_wait3A_286 = arith.constant 0 : i32
        %dma_wait3A_287 = tpu.memref_slice %arg6[%dma_wait3A_277, %dma_wait3A_285, %dma_wait3A_286] : memref<4x128x128xf32, #tpu.memory_space<vmem>> -> memref<1x128x128xf32, #tpu.memory_space<vmem>>
        %dma_wait3A_288 = tpu.memref_squeeze %dma_wait3A_287 : memref<1x128x128xf32, #tpu.memory_space<vmem>> -> memref<128x128xf32, #tpu.memory_space<vmem>>
        %dma_wait3A_289 = arith.constant 0 : i32
        %dma_wait3A_290 = arith.constant 0 : i32
        %dma_wait3A_291 = tpu.memref_slice %arg3[%dma_wait3A_289, %dma_wait3A_290] : memref<1000000x128xf32, #tpu.memory_space<hbm>> -> memref<128x128xf32, #tpu.memory_space<hbm>>
        tpu.wait_dma2 semaphore(%arg10 : memref<!tpu.dma_semaphore, #tpu.memory_space<semaphore_mem>>) src(%dma_wait3A_291 : memref<128x128xf32, #tpu.memory_space<hbm>>) dst(%dma_wait3A_288 : memref<128x128xf32, #tpu.memory_space<vmem>>)
        %mul3A_292 = arith.constant 4 : i32
        %mul3A_293 = arith.muli %mul3A_292, %scan3A_96 : i32
        %sub3A_294 = arith.constant 1 : i32
        %sub3A_295 = arith.subi %mul3A_293, %sub3A_294 : i32
        %mul3A_296 = arith.constant 128 : i32
        %mul3A_297 = arith.muli %sub3A_295, %mul3A_296 : i32
        %add3A_298 = arith.addi %mul3A_2, %mul3A_297 : i32
        %dma_start3A_299 = arith.constant 3 : i32
        %dma_start3A_300 = arith.constant 0 : i32
        %dma_start3A_301 = arith.constant 0 : i32
        %dma_start3A_302 = tpu.memref_slice %arg6[%dma_start3A_299, %dma_start3A_300, %dma_start3A_301] : memref<4x128x128xf32, #tpu.memory_space<vmem>> -> memref<1x128x128xf32, #tpu.memory_space<vmem>>
        %dma_start3A_303 = tpu.memref_squeeze %dma_start3A_302 : memref<1x128x128xf32, #tpu.memory_space<vmem>> -> memref<128x128xf32, #tpu.memory_space<vmem>>
        %dma_start3A_304 = arith.constant 0 : i32
        %dma_start3A_305 = tpu.memref_slice %arg4[%add3A_298, %dma_start3A_304] : memref<425984x128xf32, #tpu.memory_space<hbm>> -> memref<128x128xf32, #tpu.memory_space<hbm>>
        %dma_start3A_306 = arith.constant 0 : i32
        %dma_start3A_307 = tpu.memref_slice %arg4[%add3A_298, %dma_start3A_306] : memref<425984x128xf32, #tpu.memory_space<hbm>> -> memref<128x128xf32, #tpu.memory_space<hbm>>
        %dma_start3A_308 = arith.constant 0 : i32
        %dma_start3A_309 = arith.constant 0 : i32
        %dma_start3A_310 = tpu.memref_slice %arg6[%dma_start3A_299, %dma_start3A_308, %dma_start3A_309] : memref<4x128x128xf32, #tpu.memory_space<vmem>> -> memref<1x128x128xf32, #tpu.memory_space<vmem>>
        %dma_start3A_311 = tpu.memref_squeeze %dma_start3A_310 : memref<1x128x128xf32, #tpu.memory_space<vmem>> -> memref<128x128xf32, #tpu.memory_space<vmem>>
        tpu.enqueue_dma source(%dma_start3A_311 : memref<128x128xf32, #tpu.memory_space<vmem>>) target(%dma_start3A_307 : memref<128x128xf32, #tpu.memory_space<hbm>>) target_semaphore(%arg14 : memref<!tpu.dma_semaphore, #tpu.memory_space<semaphore_mem>>)
      } else {
      }
      %mul3A_119 = arith.constant 4 : i32
      %mul3A_120 = arith.muli %mul3A_119, %scan3A_96 : i32
      %add3A_121 = arith.constant 1 : i32
      %add3A_122 = arith.addi %mul3A_120, %add3A_121 : i32
      %ge3A_123 = arith.constant 1 : i32
      %ge3A_124 = arith.cmpi sge, %scan3A_96, %ge3A_123 : i32
      %convert_element_type3A_125 = arith.extui %ge3A_124 : i1 to i32
      %cond3A_126 = arith.constant 0 : i32
      %cond3A_127 = arith.cmpi ne, %convert_element_type3A_125, %cond3A_126 : i32
      scf.if %cond3A_127 {
        %dma_wait3A_277 = arith.constant 1 : i32
        %dma_wait3A_278 = arith.constant 0 : i32
        %dma_wait3A_279 = arith.constant 0 : i32
        %dma_wait3A_280 = tpu.memref_slice %arg6[%dma_wait3A_277, %dma_wait3A_278, %dma_wait3A_279] : memref<4x128x128xf32, #tpu.memory_space<vmem>> -> memref<1x128x128xf32, #tpu.memory_space<vmem>>
        %dma_wait3A_281 = tpu.memref_squeeze %dma_wait3A_280 : memref<1x128x128xf32, #tpu.memory_space<vmem>> -> memref<128x128xf32, #tpu.memory_space<vmem>>
        %dma_wait3A_282 = arith.constant 0 : i32
        %dma_wait3A_283 = arith.constant 0 : i32
        %dma_wait3A_284 = tpu.memref_slice %arg4[%dma_wait3A_282, %dma_wait3A_283] : memref<425984x128xf32, #tpu.memory_space<hbm>> -> memref<128x128xf32, #tpu.memory_space<hbm>>
        %dma_wait3A_285 = arith.constant 0 : i32
        %dma_wait3A_286 = arith.constant 0 : i32
        %dma_wait3A_287 = tpu.memref_slice %arg4[%dma_wait3A_285, %dma_wait3A_286] : memref<425984x128xf32, #tpu.memory_space<hbm>> -> memref<128x128xf32, #tpu.memory_space<hbm>>
        %dma_wait3A_288 = arith.constant 0 : i32
        %dma_wait3A_289 = arith.constant 0 : i32
        %dma_wait3A_290 = tpu.memref_slice %arg6[%dma_wait3A_277, %dma_wait3A_288, %dma_wait3A_289] : memref<4x128x128xf32, #tpu.memory_space<vmem>> -> memref<1x128x128xf32, #tpu.memory_space<vmem>>
        %dma_wait3A_291 = tpu.memref_squeeze %dma_wait3A_290 : memref<1x128x128xf32, #tpu.memory_space<vmem>> -> memref<128x128xf32, #tpu.memory_space<vmem>>
        tpu.wait_dma2 semaphore(%arg12 : memref<!tpu.dma_semaphore, #tpu.memory_space<semaphore_mem>>) src(%dma_wait3A_291 : memref<128x128xf32, #tpu.memory_space<vmem>>) dst(%dma_wait3A_287 : memref<128x128xf32, #tpu.memory_space<hbm>>)
      } else {
      }
      %dma_start3A_128 = arith.constant 1 : i32
      %dma_start3A_129 = arith.constant 0 : i32
      %dma_start3A_130 = arith.constant 0 : i32
      %dma_start3A_131 = tpu.memref_slice %arg6[%dma_start3A_128, %dma_start3A_129, %dma_start3A_130] : memref<4x128x128xf32, #tpu.memory_space<vmem>> -> memref<1x128x128xf32, #tpu.memory_space<vmem>>
      %dma_start3A_132 = tpu.memref_squeeze %dma_start3A_131 : memref<1x128x128xf32, #tpu.memory_space<vmem>> -> memref<128x128xf32, #tpu.memory_space<vmem>>
      %dma_start3A_133 = arith.constant 0 : i32
      %dma_start3A_134 = tpu.memref_slice %arg5[%add3A_122, %dma_start3A_133] : memref<104x128xi32, #tpu.memory_space<vmem>> -> memref<1x128xi32, #tpu.memory_space<vmem>>
      %dma_start3A_135 = tpu.memref_squeeze %dma_start3A_134 : memref<1x128xi32, #tpu.memory_space<vmem>> -> memref<128xi32, #tpu.memory_space<vmem>>
      %dma_start3A_136 = arith.constant 0 : i32
      %dma_start3A_137 = arith.constant 0 : i32
      %dma_start3A_138 = tpu.memref_slice %arg3[%dma_start3A_136, %dma_start3A_137] : memref<1000000x128xf32, #tpu.memory_space<hbm>> -> memref<1000000x128xf32, #tpu.memory_space<hbm>>
      tpu.enqueue_indirect_dma source(%dma_start3A_138 : memref<1000000x128xf32, #tpu.memory_space<hbm>>) target(%dma_start3A_132 : memref<128x128xf32, #tpu.memory_space<vmem>>) offsets(%dma_start3A_135 : memref<128xi32, #tpu.memory_space<vmem>>) semaphore(%arg8 : memref<!tpu.dma_semaphore, #tpu.memory_space<semaphore_mem>>)
      %dma_wait3A_139 = arith.constant 0 : i32
      %dma_wait3A_140 = arith.constant 0 : i32
      %dma_wait3A_141 = arith.constant 0 : i32
      %dma_wait3A_142 = tpu.memref_slice %arg6[%dma_wait3A_139, %dma_wait3A_140, %dma_wait3A_141] : memref<4x128x128xf32, #tpu.memory_space<vmem>> -> memref<1x128x128xf32, #tpu.memory_space<vmem>>
      %dma_wait3A_143 = tpu.memref_squeeze %dma_wait3A_142 : memref<1x128x128xf32, #tpu.memory_space<vmem>> -> memref<128x128xf32, #tpu.memory_space<vmem>>
      %dma_wait3A_144 = arith.constant 0 : i32
      %dma_wait3A_145 = arith.constant 0 : i32
      %dma_wait3A_146 = tpu.memref_slice %arg3[%dma_wait3A_144, %dma_wait3A_145] : memref<1000000x128xf32, #tpu.memory_space<hbm>> -> memref<128x128xf32, #tpu.memory_space<hbm>>
      %dma_wait3A_147 = arith.constant 0 : i32
      %dma_wait3A_148 = arith.constant 0 : i32
      %dma_wait3A_149 = tpu.memref_slice %arg6[%dma_wait3A_139, %dma_wait3A_147, %dma_wait3A_148] : memref<4x128x128xf32, #tpu.memory_space<vmem>> -> memref<1x128x128xf32, #tpu.memory_space<vmem>>
      %dma_wait3A_150 = tpu.memref_squeeze %dma_wait3A_149 : memref<1x128x128xf32, #tpu.memory_space<vmem>> -> memref<128x128xf32, #tpu.memory_space<vmem>>
      %dma_wait3A_151 = arith.constant 0 : i32
      %dma_wait3A_152 = arith.constant 0 : i32
      %dma_wait3A_153 = tpu.memref_slice %arg3[%dma_wait3A_151, %dma_wait3A_152] : memref<1000000x128xf32, #tpu.memory_space<hbm>> -> memref<128x128xf32, #tpu.memory_space<hbm>>
      tpu.wait_dma2 semaphore(%arg7 : memref<!tpu.dma_semaphore, #tpu.memory_space<semaphore_mem>>) src(%dma_wait3A_153 : memref<128x128xf32, #tpu.memory_space<hbm>>) dst(%dma_wait3A_150 : memref<128x128xf32, #tpu.memory_space<vmem>>)
      %sub3A = arith.constant 1 : i32
      %sub3A_154 = arith.subi %add3A_122, %sub3A : i32
      %mul3A_155 = arith.constant 128 : i32
      %mul3A_156 = arith.muli %sub3A_154, %mul3A_155 : i32
      %add3A_157 = arith.addi %mul3A_2, %mul3A_156 : i32
      %dma_start3A_158 = arith.constant 0 : i32
      %dma_start3A_159 = arith.constant 0 : i32
      %dma_start3A_160 = arith.constant 0 : i32
      %dma_start3A_161 = tpu.memref_slice %arg6[%dma_start3A_158, %dma_start3A_159, %dma_start3A_160] : memref<4x128x128xf32, #tpu.memory_space<vmem>> -> memref<1x128x128xf32, #tpu.memory_space<vmem>>
      %dma_start3A_162 = tpu.memref_squeeze %dma_start3A_161 : memref<1x128x128xf32, #tpu.memory_space<vmem>> -> memref<128x128xf32, #tpu.memory_space<vmem>>
      %dma_start3A_163 = arith.constant 0 : i32
      %dma_start3A_164 = tpu.memref_slice %arg4[%add3A_157, %dma_start3A_163] : memref<425984x128xf32, #tpu.memory_space<hbm>> -> memref<128x128xf32, #tpu.memory_space<hbm>>
      %dma_start3A_165 = arith.constant 0 : i32
      %dma_start3A_166 = tpu.memref_slice %arg4[%add3A_157, %dma_start3A_165] : memref<425984x128xf32, #tpu.memory_space<hbm>> -> memref<128x128xf32, #tpu.memory_space<hbm>>
      %dma_start3A_167 = arith.constant 0 : i32
      %dma_start3A_168 = arith.constant 0 : i32
      %dma_start3A_169 = tpu.memref_slice %arg6[%dma_start3A_158, %dma_start3A_167, %dma_start3A_168] : memref<4x128x128xf32, #tpu.memory_space<vmem>> -> memref<1x128x128xf32, #tpu.memory_space<vmem>>
      %dma_start3A_170 = tpu.memref_squeeze %dma_start3A_169 : memref<1x128x128xf32, #tpu.memory_space<vmem>> -> memref<128x128xf32, #tpu.memory_space<vmem>>
      tpu.enqueue_dma source(%dma_start3A_170 : memref<128x128xf32, #tpu.memory_space<vmem>>) target(%dma_start3A_166 : memref<128x128xf32, #tpu.memory_space<hbm>>) target_semaphore(%arg11 : memref<!tpu.dma_semaphore, #tpu.memory_space<semaphore_mem>>)
      %mul3A_171 = arith.constant 4 : i32
      %mul3A_172 = arith.muli %mul3A_171, %scan3A_96 : i32
      %add3A_173 = arith.constant 2 : i32
      %add3A_174 = arith.addi %mul3A_172, %add3A_173 : i32
      %ge3A_175 = arith.constant 1 : i32
      %ge3A_176 = arith.cmpi sge, %scan3A_96, %ge3A_175 : i32
      %convert_element_type3A_177 = arith.extui %ge3A_176 : i1 to i32
      %cond3A_178 = arith.constant 0 : i32
      %cond3A_179 = arith.cmpi ne, %convert_element_type3A_177, %cond3A_178 : i32
      scf.if %cond3A_179 {
        %dma_wait3A_277 = arith.constant 2 : i32
        %dma_wait3A_278 = arith.constant 0 : i32
        %dma_wait3A_279 = arith.constant 0 : i32
        %dma_wait3A_280 = tpu.memref_slice %arg6[%dma_wait3A_277, %dma_wait3A_278, %dma_wait3A_279] : memref<4x128x128xf32, #tpu.memory_space<vmem>> -> memref<1x128x128xf32, #tpu.memory_space<vmem>>
        %dma_wait3A_281 = tpu.memref_squeeze %dma_wait3A_280 : memref<1x128x128xf32, #tpu.memory_space<vmem>> -> memref<128x128xf32, #tpu.memory_space<vmem>>
        %dma_wait3A_282 = arith.constant 0 : i32
        %dma_wait3A_283 = arith.constant 0 : i32
        %dma_wait3A_284 = tpu.memref_slice %arg4[%dma_wait3A_282, %dma_wait3A_283] : memref<425984x128xf32, #tpu.memory_space<hbm>> -> memref<128x128xf32, #tpu.memory_space<hbm>>
        %dma_wait3A_285 = arith.constant 0 : i32
        %dma_wait3A_286 = arith.constant 0 : i32
        %dma_wait3A_287 = tpu.memref_slice %arg4[%dma_wait3A_285, %dma_wait3A_286] : memref<425984x128xf32, #tpu.memory_space<hbm>> -> memref<128x128xf32, #tpu.memory_space<hbm>>
        %dma_wait3A_288 = arith.constant 0 : i32
        %dma_wait3A_289 = arith.constant 0 : i32
        %dma_wait3A_290 = tpu.memref_slice %arg6[%dma_wait3A_277, %dma_wait3A_288, %dma_wait3A_289] : memref<4x128x128xf32, #tpu.memory_space<vmem>> -> memref<1x128x128xf32, #tpu.memory_space<vmem>>
        %dma_wait3A_291 = tpu.memref_squeeze %dma_wait3A_290 : memref<1x128x128xf32, #tpu.memory_space<vmem>> -> memref<128x128xf32, #tpu.memory_space<vmem>>
        tpu.wait_dma2 semaphore(%arg13 : memref<!tpu.dma_semaphore, #tpu.memory_space<semaphore_mem>>) src(%dma_wait3A_291 : memref<128x128xf32, #tpu.memory_space<vmem>>) dst(%dma_wait3A_287 : memref<128x128xf32, #tpu.memory_space<hbm>>)
      } else {
      }
      %dma_start3A_180 = arith.constant 2 : i32
      %dma_start3A_181 = arith.constant 0 : i32
      %dma_start3A_182 = arith.constant 0 : i32
      %dma_start3A_183 = tpu.memref_slice %arg6[%dma_start3A_180, %dma_start3A_181, %dma_start3A_182] : memref<4x128x128xf32, #tpu.memory_space<vmem>> -> memref<1x128x128xf32, #tpu.memory_space<vmem>>
      %dma_start3A_184 = tpu.memref_squeeze %dma_start3A_183 : memref<1x128x128xf32, #tpu.memory_space<vmem>> -> memref<128x128xf32, #tpu.memory_space<vmem>>
      %dma_start3A_185 = arith.constant 0 : i32
      %dma_start3A_186 = tpu.memref_slice %arg5[%add3A_174, %dma_start3A_185] : memref<104x128xi32, #tpu.memory_space<vmem>> -> memref<1x128xi32, #tpu.memory_space<vmem>>
      %dma_start3A_187 = tpu.memref_squeeze %dma_start3A_186 : memref<1x128xi32, #tpu.memory_space<vmem>> -> memref<128xi32, #tpu.memory_space<vmem>>
      %dma_start3A_188 = arith.constant 0 : i32
      %dma_start3A_189 = arith.constant 0 : i32
      %dma_start3A_190 = tpu.memref_slice %arg3[%dma_start3A_188, %dma_start3A_189] : memref<1000000x128xf32, #tpu.memory_space<hbm>> -> memref<1000000x128xf32, #tpu.memory_space<hbm>>
      tpu.enqueue_indirect_dma source(%dma_start3A_190 : memref<1000000x128xf32, #tpu.memory_space<hbm>>) target(%dma_start3A_184 : memref<128x128xf32, #tpu.memory_space<vmem>>) offsets(%dma_start3A_187 : memref<128xi32, #tpu.memory_space<vmem>>) semaphore(%arg9 : memref<!tpu.dma_semaphore, #tpu.memory_space<semaphore_mem>>)
      %dma_wait3A_191 = arith.constant 1 : i32
      %dma_wait3A_192 = arith.constant 0 : i32
      %dma_wait3A_193 = arith.constant 0 : i32
      %dma_wait3A_194 = tpu.memref_slice %arg6[%dma_wait3A_191, %dma_wait3A_192, %dma_wait3A_193] : memref<4x128x128xf32, #tpu.memory_space<vmem>> -> memref<1x128x128xf32, #tpu.memory_space<vmem>>
      %dma_wait3A_195 = tpu.memref_squeeze %dma_wait3A_194 : memref<1x128x128xf32, #tpu.memory_space<vmem>> -> memref<128x128xf32, #tpu.memory_space<vmem>>
      %dma_wait3A_196 = arith.constant 0 : i32
      %dma_wait3A_197 = arith.constant 0 : i32
      %dma_wait3A_198 = tpu.memref_slice %arg3[%dma_wait3A_196, %dma_wait3A_197] : memref<1000000x128xf32, #tpu.memory_space<hbm>> -> memref<128x128xf32, #tpu.memory_space<hbm>>
      %dma_wait3A_199 = arith.constant 0 : i32
      %dma_wait3A_200 = arith.constant 0 : i32
      %dma_wait3A_201 = tpu.memref_slice %arg6[%dma_wait3A_191, %dma_wait3A_199, %dma_wait3A_200] : memref<4x128x128xf32, #tpu.memory_space<vmem>> -> memref<1x128x128xf32, #tpu.memory_space<vmem>>
      %dma_wait3A_202 = tpu.memref_squeeze %dma_wait3A_201 : memref<1x128x128xf32, #tpu.memory_space<vmem>> -> memref<128x128xf32, #tpu.memory_space<vmem>>
      %dma_wait3A_203 = arith.constant 0 : i32
      %dma_wait3A_204 = arith.constant 0 : i32
      %dma_wait3A_205 = tpu.memref_slice %arg3[%dma_wait3A_203, %dma_wait3A_204] : memref<1000000x128xf32, #tpu.memory_space<hbm>> -> memref<128x128xf32, #tpu.memory_space<hbm>>
      tpu.wait_dma2 semaphore(%arg8 : memref<!tpu.dma_semaphore, #tpu.memory_space<semaphore_mem>>) src(%dma_wait3A_205 : memref<128x128xf32, #tpu.memory_space<hbm>>) dst(%dma_wait3A_202 : memref<128x128xf32, #tpu.memory_space<vmem>>)
      %sub3A_206 = arith.constant 1 : i32
      %sub3A_207 = arith.subi %add3A_174, %sub3A_206 : i32
      %mul3A_208 = arith.constant 128 : i32
      %mul3A_209 = arith.muli %sub3A_207, %mul3A_208 : i32
      %add3A_210 = arith.addi %mul3A_2, %mul3A_209 : i32
      %dma_start3A_211 = arith.constant 1 : i32
      %dma_start3A_212 = arith.constant 0 : i32
      %dma_start3A_213 = arith.constant 0 : i32
      %dma_start3A_214 = tpu.memref_slice %arg6[%dma_start3A_211, %dma_start3A_212, %dma_start3A_213] : memref<4x128x128xf32, #tpu.memory_space<vmem>> -> memref<1x128x128xf32, #tpu.memory_space<vmem>>
      %dma_start3A_215 = tpu.memref_squeeze %dma_start3A_214 : memref<1x128x128xf32, #tpu.memory_space<vmem>> -> memref<128x128xf32, #tpu.memory_space<vmem>>
      %dma_start3A_216 = arith.constant 0 : i32
      %dma_start3A_217 = tpu.memref_slice %arg4[%add3A_210, %dma_start3A_216] : memref<425984x128xf32, #tpu.memory_space<hbm>> -> memref<128x128xf32, #tpu.memory_space<hbm>>
      %dma_start3A_218 = arith.constant 0 : i32
      %dma_start3A_219 = tpu.memref_slice %arg4[%add3A_210, %dma_start3A_218] : memref<425984x128xf32, #tpu.memory_space<hbm>> -> memref<128x128xf32, #tpu.memory_space<hbm>>
      %dma_start3A_220 = arith.constant 0 : i32
      %dma_start3A_221 = arith.constant 0 : i32
      %dma_start3A_222 = tpu.memref_slice %arg6[%dma_start3A_211, %dma_start3A_220, %dma_start3A_221] : memref<4x128x128xf32, #tpu.memory_space<vmem>> -> memref<1x128x128xf32, #tpu.memory_space<vmem>>
      %dma_start3A_223 = tpu.memref_squeeze %dma_start3A_222 : memref<1x128x128xf32, #tpu.memory_space<vmem>> -> memref<128x128xf32, #tpu.memory_space<vmem>>
      tpu.enqueue_dma source(%dma_start3A_223 : memref<128x128xf32, #tpu.memory_space<vmem>>) target(%dma_start3A_219 : memref<128x128xf32, #tpu.memory_space<hbm>>) target_semaphore(%arg12 : memref<!tpu.dma_semaphore, #tpu.memory_space<semaphore_mem>>)
      %mul3A_224 = arith.constant 4 : i32
      %mul3A_225 = arith.muli %mul3A_224, %scan3A_96 : i32
      %add3A_226 = arith.constant 3 : i32
      %add3A_227 = arith.addi %mul3A_225, %add3A_226 : i32
      %ge3A_228 = arith.constant 1 : i32
      %ge3A_229 = arith.cmpi sge, %scan3A_96, %ge3A_228 : i32
      %convert_element_type3A_230 = arith.extui %ge3A_229 : i1 to i32
      %cond3A_231 = arith.constant 0 : i32
      %cond3A_232 = arith.cmpi ne, %convert_element_type3A_230, %cond3A_231 : i32
      scf.if %cond3A_232 {
        %dma_wait3A_277 = arith.constant 3 : i32
        %dma_wait3A_278 = arith.constant 0 : i32
        %dma_wait3A_279 = arith.constant 0 : i32
        %dma_wait3A_280 = tpu.memref_slice %arg6[%dma_wait3A_277, %dma_wait3A_278, %dma_wait3A_279] : memref<4x128x128xf32, #tpu.memory_space<vmem>> -> memref<1x128x128xf32, #tpu.memory_space<vmem>>
        %dma_wait3A_281 = tpu.memref_squeeze %dma_wait3A_280 : memref<1x128x128xf32, #tpu.memory_space<vmem>> -> memref<128x128xf32, #tpu.memory_space<vmem>>
        %dma_wait3A_282 = arith.constant 0 : i32
        %dma_wait3A_283 = arith.constant 0 : i32
        %dma_wait3A_284 = tpu.memref_slice %arg4[%dma_wait3A_282, %dma_wait3A_283] : memref<425984x128xf32, #tpu.memory_space<hbm>> -> memref<128x128xf32, #tpu.memory_space<hbm>>
        %dma_wait3A_285 = arith.constant 0 : i32
        %dma_wait3A_286 = arith.constant 0 : i32
        %dma_wait3A_287 = tpu.memref_slice %arg4[%dma_wait3A_285, %dma_wait3A_286] : memref<425984x128xf32, #tpu.memory_space<hbm>> -> memref<128x128xf32, #tpu.memory_space<hbm>>
        %dma_wait3A_288 = arith.constant 0 : i32
        %dma_wait3A_289 = arith.constant 0 : i32
        %dma_wait3A_290 = tpu.memref_slice %arg6[%dma_wait3A_277, %dma_wait3A_288, %dma_wait3A_289] : memref<4x128x128xf32, #tpu.memory_space<vmem>> -> memref<1x128x128xf32, #tpu.memory_space<vmem>>
        %dma_wait3A_291 = tpu.memref_squeeze %dma_wait3A_290 : memref<1x128x128xf32, #tpu.memory_space<vmem>> -> memref<128x128xf32, #tpu.memory_space<vmem>>
        tpu.wait_dma2 semaphore(%arg14 : memref<!tpu.dma_semaphore, #tpu.memory_space<semaphore_mem>>) src(%dma_wait3A_291 : memref<128x128xf32, #tpu.memory_space<vmem>>) dst(%dma_wait3A_287 : memref<128x128xf32, #tpu.memory_space<hbm>>)
      } else {
      }
      %dma_start3A_233 = arith.constant 3 : i32
      %dma_start3A_234 = arith.constant 0 : i32
      %dma_start3A_235 = arith.constant 0 : i32
      %dma_start3A_236 = tpu.memref_slice %arg6[%dma_start3A_233, %dma_start3A_234, %dma_start3A_235] : memref<4x128x128xf32, #tpu.memory_space<vmem>> -> memref<1x128x128xf32, #tpu.memory_space<vmem>>
      %dma_start3A_237 = tpu.memref_squeeze %dma_start3A_236 : memref<1x128x128xf32, #tpu.memory_space<vmem>> -> memref<128x128xf32, #tpu.memory_space<vmem>>
      %dma_start3A_238 = arith.constant 0 : i32
      %dma_start3A_239 = tpu.memref_slice %arg5[%add3A_227, %dma_start3A_238] : memref<104x128xi32, #tpu.memory_space<vmem>> -> memref<1x128xi32, #tpu.memory_space<vmem>>
      %dma_start3A_240 = tpu.memref_squeeze %dma_start3A_239 : memref<1x128xi32, #tpu.memory_space<vmem>> -> memref<128xi32, #tpu.memory_space<vmem>>
      %dma_start3A_241 = arith.constant 0 : i32
      %dma_start3A_242 = arith.constant 0 : i32
      %dma_start3A_243 = tpu.memref_slice %arg3[%dma_start3A_241, %dma_start3A_242] : memref<1000000x128xf32, #tpu.memory_space<hbm>> -> memref<1000000x128xf32, #tpu.memory_space<hbm>>
      tpu.enqueue_indirect_dma source(%dma_start3A_243 : memref<1000000x128xf32, #tpu.memory_space<hbm>>) target(%dma_start3A_237 : memref<128x128xf32, #tpu.memory_space<vmem>>) offsets(%dma_start3A_240 : memref<128xi32, #tpu.memory_space<vmem>>) semaphore(%arg10 : memref<!tpu.dma_semaphore, #tpu.memory_space<semaphore_mem>>)
      %dma_wait3A_244 = arith.constant 2 : i32
      %dma_wait3A_245 = arith.constant 0 : i32
      %dma_wait3A_246 = arith.constant 0 : i32
      %dma_wait3A_247 = tpu.memref_slice %arg6[%dma_wait3A_244, %dma_wait3A_245, %dma_wait3A_246] : memref<4x128x128xf32, #tpu.memory_space<vmem>> -> memref<1x128x128xf32, #tpu.memory_space<vmem>>
      %dma_wait3A_248 = tpu.memref_squeeze %dma_wait3A_247 : memref<1x128x128xf32, #tpu.memory_space<vmem>> -> memref<128x128xf32, #tpu.memory_space<vmem>>
      %dma_wait3A_249 = arith.constant 0 : i32
      %dma_wait3A_250 = arith.constant 0 : i32
      %dma_wait3A_251 = tpu.memref_slice %arg3[%dma_wait3A_249, %dma_wait3A_250] : memref<1000000x128xf32, #tpu.memory_space<hbm>> -> memref<128x128xf32, #tpu.memory_space<hbm>>
      %dma_wait3A_252 = arith.constant 0 : i32
      %dma_wait3A_253 = arith.constant 0 : i32
      %dma_wait3A_254 = tpu.memref_slice %arg6[%dma_wait3A_244, %dma_wait3A_252, %dma_wait3A_253] : memref<4x128x128xf32, #tpu.memory_space<vmem>> -> memref<1x128x128xf32, #tpu.memory_space<vmem>>
      %dma_wait3A_255 = tpu.memref_squeeze %dma_wait3A_254 : memref<1x128x128xf32, #tpu.memory_space<vmem>> -> memref<128x128xf32, #tpu.memory_space<vmem>>
      %dma_wait3A_256 = arith.constant 0 : i32
      %dma_wait3A_257 = arith.constant 0 : i32
      %dma_wait3A_258 = tpu.memref_slice %arg3[%dma_wait3A_256, %dma_wait3A_257] : memref<1000000x128xf32, #tpu.memory_space<hbm>> -> memref<128x128xf32, #tpu.memory_space<hbm>>
      tpu.wait_dma2 semaphore(%arg9 : memref<!tpu.dma_semaphore, #tpu.memory_space<semaphore_mem>>) src(%dma_wait3A_258 : memref<128x128xf32, #tpu.memory_space<hbm>>) dst(%dma_wait3A_255 : memref<128x128xf32, #tpu.memory_space<vmem>>)
      %sub3A_259 = arith.constant 1 : i32
      %sub3A_260 = arith.subi %add3A_227, %sub3A_259 : i32
      %mul3A_261 = arith.constant 128 : i32
      %mul3A_262 = arith.muli %sub3A_260, %mul3A_261 : i32
      %add3A_263 = arith.addi %mul3A_2, %mul3A_262 : i32
      %dma_start3A_264 = arith.constant 2 : i32
      %dma_start3A_265 = arith.constant 0 : i32
      %dma_start3A_266 = arith.constant 0 : i32
      %dma_start3A_267 = tpu.memref_slice %arg6[%dma_start3A_264, %dma_start3A_265, %dma_start3A_266] : memref<4x128x128xf32, #tpu.memory_space<vmem>> -> memref<1x128x128xf32, #tpu.memory_space<vmem>>
      %dma_start3A_268 = tpu.memref_squeeze %dma_start3A_267 : memref<1x128x128xf32, #tpu.memory_space<vmem>> -> memref<128x128xf32, #tpu.memory_space<vmem>>
      %dma_start3A_269 = arith.constant 0 : i32
      %dma_start3A_270 = tpu.memref_slice %arg4[%add3A_263, %dma_start3A_269] : memref<425984x128xf32, #tpu.memory_space<hbm>> -> memref<128x128xf32, #tpu.memory_space<hbm>>
      %dma_start3A_271 = arith.constant 0 : i32
      %dma_start3A_272 = tpu.memref_slice %arg4[%add3A_263, %dma_start3A_271] : memref<425984x128xf32, #tpu.memory_space<hbm>> -> memref<128x128xf32, #tpu.memory_space<hbm>>
      %dma_start3A_273 = arith.constant 0 : i32
      %dma_start3A_274 = arith.constant 0 : i32
      %dma_start3A_275 = tpu.memref_slice %arg6[%dma_start3A_264, %dma_start3A_273, %dma_start3A_274] : memref<4x128x128xf32, #tpu.memory_space<vmem>> -> memref<1x128x128xf32, #tpu.memory_space<vmem>>
      %dma_start3A_276 = tpu.memref_squeeze %dma_start3A_275 : memref<1x128x128xf32, #tpu.memory_space<vmem>> -> memref<128x128xf32, #tpu.memory_space<vmem>>
      tpu.enqueue_dma source(%dma_start3A_276 : memref<128x128xf32, #tpu.memory_space<vmem>>) target(%dma_start3A_272 : memref<128x128xf32, #tpu.memory_space<hbm>>) target_semaphore(%arg13 : memref<!tpu.dma_semaphore, #tpu.memory_space<semaphore_mem>>)
    }
    %scan3A_7 = arith.constant 26 : i32
    %dma_wait3A = arith.constant 3 : i32
    %dma_wait3A_8 = arith.constant 0 : i32
    %dma_wait3A_9 = arith.constant 0 : i32
    %dma_wait3A_10 = tpu.memref_slice %arg6[%dma_wait3A, %dma_wait3A_8, %dma_wait3A_9] : memref<4x128x128xf32, #tpu.memory_space<vmem>> -> memref<1x128x128xf32, #tpu.memory_space<vmem>>
    %dma_wait3A_11 = tpu.memref_squeeze %dma_wait3A_10 : memref<1x128x128xf32, #tpu.memory_space<vmem>> -> memref<128x128xf32, #tpu.memory_space<vmem>>
    %dma_wait3A_12 = arith.constant 0 : i32
    %dma_wait3A_13 = arith.constant 0 : i32
    %dma_wait3A_14 = tpu.memref_slice %arg3[%dma_wait3A_12, %dma_wait3A_13] : memref<1000000x128xf32, #tpu.memory_space<hbm>> -> memref<128x128xf32, #tpu.memory_space<hbm>>
    %dma_wait3A_15 = arith.constant 0 : i32
    %dma_wait3A_16 = arith.constant 0 : i32
    %dma_wait3A_17 = tpu.memref_slice %arg6[%dma_wait3A, %dma_wait3A_15, %dma_wait3A_16] : memref<4x128x128xf32, #tpu.memory_space<vmem>> -> memref<1x128x128xf32, #tpu.memory_space<vmem>>
    %dma_wait3A_18 = tpu.memref_squeeze %dma_wait3A_17 : memref<1x128x128xf32, #tpu.memory_space<vmem>> -> memref<128x128xf32, #tpu.memory_space<vmem>>
    %dma_wait3A_19 = arith.constant 0 : i32
    %dma_wait3A_20 = arith.constant 0 : i32
    %dma_wait3A_21 = tpu.memref_slice %arg3[%dma_wait3A_19, %dma_wait3A_20] : memref<1000000x128xf32, #tpu.memory_space<hbm>> -> memref<128x128xf32, #tpu.memory_space<hbm>>
    tpu.wait_dma2 semaphore(%arg10 : memref<!tpu.dma_semaphore, #tpu.memory_space<semaphore_mem>>) src(%dma_wait3A_21 : memref<128x128xf32, #tpu.memory_space<hbm>>) dst(%dma_wait3A_18 : memref<128x128xf32, #tpu.memory_space<vmem>>)
    %add3A_22 = arith.constant 13184 : i32
    %add3A_23 = arith.addi %mul3A_2, %add3A_22 : i32
    %dma_start3A = arith.constant 3 : i32
    %dma_start3A_24 = arith.constant 0 : i32
    %dma_start3A_25 = arith.constant 0 : i32
    %dma_start3A_26 = tpu.memref_slice %arg6[%dma_start3A, %dma_start3A_24, %dma_start3A_25] : memref<4x128x128xf32, #tpu.memory_space<vmem>> -> memref<1x128x128xf32, #tpu.memory_space<vmem>>
    %dma_start3A_27 = tpu.memref_squeeze %dma_start3A_26 : memref<1x128x128xf32, #tpu.memory_space<vmem>> -> memref<128x128xf32, #tpu.memory_space<vmem>>
    %dma_start3A_28 = arith.constant 0 : i32
    %dma_start3A_29 = tpu.memref_slice %arg4[%add3A_23, %dma_start3A_28] : memref<425984x128xf32, #tpu.memory_space<hbm>> -> memref<128x128xf32, #tpu.memory_space<hbm>>
    %dma_start3A_30 = arith.constant 0 : i32
    %dma_start3A_31 = tpu.memref_slice %arg4[%add3A_23, %dma_start3A_30] : memref<425984x128xf32, #tpu.memory_space<hbm>> -> memref<128x128xf32, #tpu.memory_space<hbm>>
    %dma_start3A_32 = arith.constant 0 : i32
    %dma_start3A_33 = arith.constant 0 : i32
    %dma_start3A_34 = tpu.memref_slice %arg6[%dma_start3A, %dma_start3A_32, %dma_start3A_33] : memref<4x128x128xf32, #tpu.memory_space<vmem>> -> memref<1x128x128xf32, #tpu.memory_space<vmem>>
    %dma_start3A_35 = tpu.memref_squeeze %dma_start3A_34 : memref<1x128x128xf32, #tpu.memory_space<vmem>> -> memref<128x128xf32, #tpu.memory_space<vmem>>
    tpu.enqueue_dma source(%dma_start3A_35 : memref<128x128xf32, #tpu.memory_space<vmem>>) target(%dma_start3A_31 : memref<128x128xf32, #tpu.memory_space<hbm>>) target_semaphore(%arg14 : memref<!tpu.dma_semaphore, #tpu.memory_space<semaphore_mem>>)
    %dma_wait3A_36 = arith.constant 0 : i32
    %dma_wait3A_37 = arith.constant 0 : i32
    %dma_wait3A_38 = arith.constant 0 : i32
    %dma_wait3A_39 = tpu.memref_slice %arg6[%dma_wait3A_36, %dma_wait3A_37, %dma_wait3A_38] : memref<4x128x128xf32, #tpu.memory_space<vmem>> -> memref<1x128x128xf32, #tpu.memory_space<vmem>>
    %dma_wait3A_40 = tpu.memref_squeeze %dma_wait3A_39 : memref<1x128x128xf32, #tpu.memory_space<vmem>> -> memref<128x128xf32, #tpu.memory_space<vmem>>
    %dma_wait3A_41 = arith.constant 0 : i32
    %dma_wait3A_42 = arith.constant 0 : i32
    %dma_wait3A_43 = tpu.memref_slice %arg4[%dma_wait3A_41, %dma_wait3A_42] : memref<425984x128xf32, #tpu.memory_space<hbm>> -> memref<128x128xf32, #tpu.memory_space<hbm>>
    %dma_wait3A_44 = arith.constant 0 : i32
    %dma_wait3A_45 = arith.constant 0 : i32
    %dma_wait3A_46 = tpu.memref_slice %arg4[%dma_wait3A_44, %dma_wait3A_45] : memref<425984x128xf32, #tpu.memory_space<hbm>> -> memref<128x128xf32, #tpu.memory_space<hbm>>
    %dma_wait3A_47 = arith.constant 0 : i32
    %dma_wait3A_48 = arith.constant 0 : i32
    %dma_wait3A_49 = tpu.memref_slice %arg6[%dma_wait3A_36, %dma_wait3A_47, %dma_wait3A_48] : memref<4x128x128xf32, #tpu.memory_space<vmem>> -> memref<1x128x128xf32, #tpu.memory_space<vmem>>
    %dma_wait3A_50 = tpu.memref_squeeze %dma_wait3A_49 : memref<1x128x128xf32, #tpu.memory_space<vmem>> -> memref<128x128xf32, #tpu.memory_space<vmem>>
    tpu.wait_dma2 semaphore(%arg11 : memref<!tpu.dma_semaphore, #tpu.memory_space<semaphore_mem>>) src(%dma_wait3A_50 : memref<128x128xf32, #tpu.memory_space<vmem>>) dst(%dma_wait3A_46 : memref<128x128xf32, #tpu.memory_space<hbm>>)
    %dma_wait3A_51 = arith.constant 1 : i32
    %dma_wait3A_52 = arith.constant 0 : i32
    %dma_wait3A_53 = arith.constant 0 : i32
    %dma_wait3A_54 = tpu.memref_slice %arg6[%dma_wait3A_51, %dma_wait3A_52, %dma_wait3A_53] : memref<4x128x128xf32, #tpu.memory_space<vmem>> -> memref<1x128x128xf32, #tpu.memory_space<vmem>>
    %dma_wait3A_55 = tpu.memref_squeeze %dma_wait3A_54 : memref<1x128x128xf32, #tpu.memory_space<vmem>> -> memref<128x128xf32, #tpu.memory_space<vmem>>
    %dma_wait3A_56 = arith.constant 0 : i32
    %dma_wait3A_57 = arith.constant 0 : i32
    %dma_wait3A_58 = tpu.memref_slice %arg4[%dma_wait3A_56, %dma_wait3A_57] : memref<425984x128xf32, #tpu.memory_space<hbm>> -> memref<128x128xf32, #tpu.memory_space<hbm>>
    %dma_wait3A_59 = arith.constant 0 : i32
    %dma_wait3A_60 = arith.constant 0 : i32
    %dma_wait3A_61 = tpu.memref_slice %arg4[%dma_wait3A_59, %dma_wait3A_60] : memref<425984x128xf32, #tpu.memory_space<hbm>> -> memref<128x128xf32, #tpu.memory_space<hbm>>
    %dma_wait3A_62 = arith.constant 0 : i32
    %dma_wait3A_63 = arith.constant 0 : i32
    %dma_wait3A_64 = tpu.memref_slice %arg6[%dma_wait3A_51, %dma_wait3A_62, %dma_wait3A_63] : memref<4x128x128xf32, #tpu.memory_space<vmem>> -> memref<1x128x128xf32, #tpu.memory_space<vmem>>
    %dma_wait3A_65 = tpu.memref_squeeze %dma_wait3A_64 : memref<1x128x128xf32, #tpu.memory_space<vmem>> -> memref<128x128xf32, #tpu.memory_space<vmem>>
    tpu.wait_dma2 semaphore(%arg12 : memref<!tpu.dma_semaphore, #tpu.memory_space<semaphore_mem>>) src(%dma_wait3A_65 : memref<128x128xf32, #tpu.memory_space<vmem>>) dst(%dma_wait3A_61 : memref<128x128xf32, #tpu.memory_space<hbm>>)
    %dma_wait3A_66 = arith.constant 2 : i32
    %dma_wait3A_67 = arith.constant 0 : i32
    %dma_wait3A_68 = arith.constant 0 : i32
    %dma_wait3A_69 = tpu.memref_slice %arg6[%dma_wait3A_66, %dma_wait3A_67, %dma_wait3A_68] : memref<4x128x128xf32, #tpu.memory_space<vmem>> -> memref<1x128x128xf32, #tpu.memory_space<vmem>>
    %dma_wait3A_70 = tpu.memref_squeeze %dma_wait3A_69 : memref<1x128x128xf32, #tpu.memory_space<vmem>> -> memref<128x128xf32, #tpu.memory_space<vmem>>
    %dma_wait3A_71 = arith.constant 0 : i32
    %dma_wait3A_72 = arith.constant 0 : i32
    %dma_wait3A_73 = tpu.memref_slice %arg4[%dma_wait3A_71, %dma_wait3A_72] : memref<425984x128xf32, #tpu.memory_space<hbm>> -> memref<128x128xf32, #tpu.memory_space<hbm>>
    %dma_wait3A_74 = arith.constant 0 : i32
    %dma_wait3A_75 = arith.constant 0 : i32
    %dma_wait3A_76 = tpu.memref_slice %arg4[%dma_wait3A_74, %dma_wait3A_75] : memref<425984x128xf32, #tpu.memory_space<hbm>> -> memref<128x128xf32, #tpu.memory_space<hbm>>
    %dma_wait3A_77 = arith.constant 0 : i32
    %dma_wait3A_78 = arith.constant 0 : i32
    %dma_wait3A_79 = tpu.memref_slice %arg6[%dma_wait3A_66, %dma_wait3A_77, %dma_wait3A_78] : memref<4x128x128xf32, #tpu.memory_space<vmem>> -> memref<1x128x128xf32, #tpu.memory_space<vmem>>
    %dma_wait3A_80 = tpu.memref_squeeze %dma_wait3A_79 : memref<1x128x128xf32, #tpu.memory_space<vmem>> -> memref<128x128xf32, #tpu.memory_space<vmem>>
    tpu.wait_dma2 semaphore(%arg13 : memref<!tpu.dma_semaphore, #tpu.memory_space<semaphore_mem>>) src(%dma_wait3A_80 : memref<128x128xf32, #tpu.memory_space<vmem>>) dst(%dma_wait3A_76 : memref<128x128xf32, #tpu.memory_space<hbm>>)
    %dma_wait3A_81 = arith.constant 3 : i32
    %dma_wait3A_82 = arith.constant 0 : i32
    %dma_wait3A_83 = arith.constant 0 : i32
    %dma_wait3A_84 = tpu.memref_slice %arg6[%dma_wait3A_81, %dma_wait3A_82, %dma_wait3A_83] : memref<4x128x128xf32, #tpu.memory_space<vmem>> -> memref<1x128x128xf32, #tpu.memory_space<vmem>>
    %dma_wait3A_85 = tpu.memref_squeeze %dma_wait3A_84 : memref<1x128x128xf32, #tpu.memory_space<vmem>> -> memref<128x128xf32, #tpu.memory_space<vmem>>
    %dma_wait3A_86 = arith.constant 0 : i32
    %dma_wait3A_87 = arith.constant 0 : i32
    %dma_wait3A_88 = tpu.memref_slice %arg4[%dma_wait3A_86, %dma_wait3A_87] : memref<425984x128xf32, #tpu.memory_space<hbm>> -> memref<128x128xf32, #tpu.memory_space<hbm>>
    %dma_wait3A_89 = arith.constant 0 : i32
    %dma_wait3A_90 = arith.constant 0 : i32
    %dma_wait3A_91 = tpu.memref_slice %arg4[%dma_wait3A_89, %dma_wait3A_90] : memref<425984x128xf32, #tpu.memory_space<hbm>> -> memref<128x128xf32, #tpu.memory_space<hbm>>
    %dma_wait3A_92 = arith.constant 0 : i32
    %dma_wait3A_93 = arith.constant 0 : i32
    %dma_wait3A_94 = tpu.memref_slice %arg6[%dma_wait3A_81, %dma_wait3A_92, %dma_wait3A_93] : memref<4x128x128xf32, #tpu.memory_space<vmem>> -> memref<1x128x128xf32, #tpu.memory_space<vmem>>
    %dma_wait3A_95 = tpu.memref_squeeze %dma_wait3A_94 : memref<1x128x128xf32, #tpu.memory_space<vmem>> -> memref<128x128xf32, #tpu.memory_space<vmem>>
    tpu.wait_dma2 semaphore(%arg14 : memref<!tpu.dma_semaphore, #tpu.memory_space<semaphore_mem>>) src(%dma_wait3A_95 : memref<128x128xf32, #tpu.memory_space<vmem>>) dst(%dma_wait3A_91 : memref<128x128xf32, #tpu.memory_space<hbm>>)
    return
  }
}

module attributes {stable_mosaic.version = 14 : i64} {
  func.func @_mm_body(%arg0: i32, %arg1: memref<26x1024x128xf32, #tpu.memory_space<vmem>>, %arg2: memref<128x3328xf32, #tpu.memory_space<vmem>>, %arg3: memref<1024x128xf32, #tpu.memory_space<vmem>>) attributes {dimension_semantics = [#tpu.dimension_semantics<arbitrary>], iteration_bounds = array<i64: 16>, scalar_prefetch = 0 : i64, scratch_operands = 0 : i64, tpu.core_type = #tpu.core_type<tc>, window_params = [{transform_indices = @transform_0, window_bounds = array<i64: 26, 1024, 128>}, {pipeline_mode = #tpu.pipeline_mode<synchronous>, transform_indices = @transform_1, window_bounds = array<i64: 128, 3328>}, {transform_indices = @transform_2, window_bounds = array<i64: 1024, 128>}]} {
    %get3A = arith.constant 0 : index
    %get3A_0 = arith.constant 0 : index
    %get3A_1 = arith.constant 0 : index
    %get3A_2 = vector.load %arg1[%get3A, %get3A_0, %get3A_1] : memref<26x1024x128xf32, #tpu.memory_space<vmem>>, vector<1x1024x128xf32>
    %get3A_3 = vector.shape_cast %get3A_2 : vector<1x1024x128xf32> to vector<1024x128xf32>
    %convert_element_type3A = arith.truncf %get3A_3 : vector<1024x128xf32> to vector<1024x128xbf16>
    %get3A_4 = arith.constant 0 : index
    %get3A_5 = arith.constant 0 : index
    %get3A_6 = vector.load %arg2[%get3A_4, %get3A_5] : memref<128x3328xf32, #tpu.memory_space<vmem>>, vector<128x128xf32>
    %convert_element_type3A_7 = arith.truncf %get3A_6 : vector<128x128xf32> to vector<128x128xbf16>
    %dot_general3A = arith.constant dense<0.000000e+00> : vector<1024x128xf32>
    %dot_general3A_8 = tpu.matmul %convert_element_type3A, %convert_element_type3A_7, %dot_general3A {dimension_numbers = #tpu.dot_dimension_numbers<[1], [1], [0], [0], [0, 0, 1, 0], [], []>, transpose_lhs_hint = false} : vector<1024x128xbf16>, vector<128x128xbf16>, vector<1024x128xf32> -> vector<1024x128xf32>
    %get3A_9 = arith.constant 1 : index
    %get3A_10 = arith.constant 0 : index
    %get3A_11 = arith.constant 0 : index
    %get3A_12 = vector.load %arg1[%get3A_9, %get3A_10, %get3A_11] : memref<26x1024x128xf32, #tpu.memory_space<vmem>>, vector<1x1024x128xf32>
    %get3A_13 = vector.shape_cast %get3A_12 : vector<1x1024x128xf32> to vector<1024x128xf32>
    %convert_element_type3A_14 = arith.truncf %get3A_13 : vector<1024x128xf32> to vector<1024x128xbf16>
    %get3A_15 = arith.constant 0 : index
    %get3A_16 = arith.constant 128 : index
    %get3A_17 = vector.load %arg2[%get3A_15, %get3A_16] : memref<128x3328xf32, #tpu.memory_space<vmem>>, vector<128x128xf32>
    %convert_element_type3A_18 = arith.truncf %get3A_17 : vector<128x128xf32> to vector<128x128xbf16>
    %dot_general3A_19 = arith.constant dense<0.000000e+00> : vector<1024x128xf32>
    %dot_general3A_20 = tpu.matmul %convert_element_type3A_14, %convert_element_type3A_18, %dot_general3A_19 {dimension_numbers = #tpu.dot_dimension_numbers<[1], [1], [0], [0], [0, 0, 1, 0], [], []>, transpose_lhs_hint = false} : vector<1024x128xbf16>, vector<128x128xbf16>, vector<1024x128xf32> -> vector<1024x128xf32>
    %add3A = arith.addf %dot_general3A_8, %dot_general3A_20 : vector<1024x128xf32>
    %get3A_21 = arith.constant 2 : index
    %get3A_22 = arith.constant 0 : index
    %get3A_23 = arith.constant 0 : index
    %get3A_24 = vector.load %arg1[%get3A_21, %get3A_22, %get3A_23] : memref<26x1024x128xf32, #tpu.memory_space<vmem>>, vector<1x1024x128xf32>
    %get3A_25 = vector.shape_cast %get3A_24 : vector<1x1024x128xf32> to vector<1024x128xf32>
    %convert_element_type3A_26 = arith.truncf %get3A_25 : vector<1024x128xf32> to vector<1024x128xbf16>
    %get3A_27 = arith.constant 0 : index
    %get3A_28 = arith.constant 256 : index
    %get3A_29 = vector.load %arg2[%get3A_27, %get3A_28] : memref<128x3328xf32, #tpu.memory_space<vmem>>, vector<128x128xf32>
    %convert_element_type3A_30 = arith.truncf %get3A_29 : vector<128x128xf32> to vector<128x128xbf16>
    %dot_general3A_31 = arith.constant dense<0.000000e+00> : vector<1024x128xf32>
    %dot_general3A_32 = tpu.matmul %convert_element_type3A_26, %convert_element_type3A_30, %dot_general3A_31 {dimension_numbers = #tpu.dot_dimension_numbers<[1], [1], [0], [0], [0, 0, 1, 0], [], []>, transpose_lhs_hint = false} : vector<1024x128xbf16>, vector<128x128xbf16>, vector<1024x128xf32> -> vector<1024x128xf32>
    %add3A_33 = arith.addf %add3A, %dot_general3A_32 : vector<1024x128xf32>
    %get3A_34 = arith.constant 3 : index
    %get3A_35 = arith.constant 0 : index
    %get3A_36 = arith.constant 0 : index
    %get3A_37 = vector.load %arg1[%get3A_34, %get3A_35, %get3A_36] : memref<26x1024x128xf32, #tpu.memory_space<vmem>>, vector<1x1024x128xf32>
    %get3A_38 = vector.shape_cast %get3A_37 : vector<1x1024x128xf32> to vector<1024x128xf32>
    %convert_element_type3A_39 = arith.truncf %get3A_38 : vector<1024x128xf32> to vector<1024x128xbf16>
    %get3A_40 = arith.constant 0 : index
    %get3A_41 = arith.constant 384 : index
    %get3A_42 = vector.load %arg2[%get3A_40, %get3A_41] : memref<128x3328xf32, #tpu.memory_space<vmem>>, vector<128x128xf32>
    %convert_element_type3A_43 = arith.truncf %get3A_42 : vector<128x128xf32> to vector<128x128xbf16>
    %dot_general3A_44 = arith.constant dense<0.000000e+00> : vector<1024x128xf32>
    %dot_general3A_45 = tpu.matmul %convert_element_type3A_39, %convert_element_type3A_43, %dot_general3A_44 {dimension_numbers = #tpu.dot_dimension_numbers<[1], [1], [0], [0], [0, 0, 1, 0], [], []>, transpose_lhs_hint = false} : vector<1024x128xbf16>, vector<128x128xbf16>, vector<1024x128xf32> -> vector<1024x128xf32>
    %add3A_46 = arith.addf %add3A_33, %dot_general3A_45 : vector<1024x128xf32>
    %get3A_47 = arith.constant 4 : index
    %get3A_48 = arith.constant 0 : index
    %get3A_49 = arith.constant 0 : index
    %get3A_50 = vector.load %arg1[%get3A_47, %get3A_48, %get3A_49] : memref<26x1024x128xf32, #tpu.memory_space<vmem>>, vector<1x1024x128xf32>
    %get3A_51 = vector.shape_cast %get3A_50 : vector<1x1024x128xf32> to vector<1024x128xf32>
    %convert_element_type3A_52 = arith.truncf %get3A_51 : vector<1024x128xf32> to vector<1024x128xbf16>
    %get3A_53 = arith.constant 0 : index
    %get3A_54 = arith.constant 512 : index
    %get3A_55 = vector.load %arg2[%get3A_53, %get3A_54] : memref<128x3328xf32, #tpu.memory_space<vmem>>, vector<128x128xf32>
    %convert_element_type3A_56 = arith.truncf %get3A_55 : vector<128x128xf32> to vector<128x128xbf16>
    %dot_general3A_57 = arith.constant dense<0.000000e+00> : vector<1024x128xf32>
    %dot_general3A_58 = tpu.matmul %convert_element_type3A_52, %convert_element_type3A_56, %dot_general3A_57 {dimension_numbers = #tpu.dot_dimension_numbers<[1], [1], [0], [0], [0, 0, 1, 0], [], []>, transpose_lhs_hint = false} : vector<1024x128xbf16>, vector<128x128xbf16>, vector<1024x128xf32> -> vector<1024x128xf32>
    %add3A_59 = arith.addf %add3A_46, %dot_general3A_58 : vector<1024x128xf32>
    %get3A_60 = arith.constant 5 : index
    %get3A_61 = arith.constant 0 : index
    %get3A_62 = arith.constant 0 : index
    %get3A_63 = vector.load %arg1[%get3A_60, %get3A_61, %get3A_62] : memref<26x1024x128xf32, #tpu.memory_space<vmem>>, vector<1x1024x128xf32>
    %get3A_64 = vector.shape_cast %get3A_63 : vector<1x1024x128xf32> to vector<1024x128xf32>
    %convert_element_type3A_65 = arith.truncf %get3A_64 : vector<1024x128xf32> to vector<1024x128xbf16>
    %get3A_66 = arith.constant 0 : index
    %get3A_67 = arith.constant 640 : index
    %get3A_68 = vector.load %arg2[%get3A_66, %get3A_67] : memref<128x3328xf32, #tpu.memory_space<vmem>>, vector<128x128xf32>
    %convert_element_type3A_69 = arith.truncf %get3A_68 : vector<128x128xf32> to vector<128x128xbf16>
    %dot_general3A_70 = arith.constant dense<0.000000e+00> : vector<1024x128xf32>
    %dot_general3A_71 = tpu.matmul %convert_element_type3A_65, %convert_element_type3A_69, %dot_general3A_70 {dimension_numbers = #tpu.dot_dimension_numbers<[1], [1], [0], [0], [0, 0, 1, 0], [], []>, transpose_lhs_hint = false} : vector<1024x128xbf16>, vector<128x128xbf16>, vector<1024x128xf32> -> vector<1024x128xf32>
    %add3A_72 = arith.addf %add3A_59, %dot_general3A_71 : vector<1024x128xf32>
    %get3A_73 = arith.constant 6 : index
    %get3A_74 = arith.constant 0 : index
    %get3A_75 = arith.constant 0 : index
    %get3A_76 = vector.load %arg1[%get3A_73, %get3A_74, %get3A_75] : memref<26x1024x128xf32, #tpu.memory_space<vmem>>, vector<1x1024x128xf32>
    %get3A_77 = vector.shape_cast %get3A_76 : vector<1x1024x128xf32> to vector<1024x128xf32>
    %convert_element_type3A_78 = arith.truncf %get3A_77 : vector<1024x128xf32> to vector<1024x128xbf16>
    %get3A_79 = arith.constant 0 : index
    %get3A_80 = arith.constant 768 : index
    %get3A_81 = vector.load %arg2[%get3A_79, %get3A_80] : memref<128x3328xf32, #tpu.memory_space<vmem>>, vector<128x128xf32>
    %convert_element_type3A_82 = arith.truncf %get3A_81 : vector<128x128xf32> to vector<128x128xbf16>
    %dot_general3A_83 = arith.constant dense<0.000000e+00> : vector<1024x128xf32>
    %dot_general3A_84 = tpu.matmul %convert_element_type3A_78, %convert_element_type3A_82, %dot_general3A_83 {dimension_numbers = #tpu.dot_dimension_numbers<[1], [1], [0], [0], [0, 0, 1, 0], [], []>, transpose_lhs_hint = false} : vector<1024x128xbf16>, vector<128x128xbf16>, vector<1024x128xf32> -> vector<1024x128xf32>
    %add3A_85 = arith.addf %add3A_72, %dot_general3A_84 : vector<1024x128xf32>
    %get3A_86 = arith.constant 7 : index
    %get3A_87 = arith.constant 0 : index
    %get3A_88 = arith.constant 0 : index
    %get3A_89 = vector.load %arg1[%get3A_86, %get3A_87, %get3A_88] : memref<26x1024x128xf32, #tpu.memory_space<vmem>>, vector<1x1024x128xf32>
    %get3A_90 = vector.shape_cast %get3A_89 : vector<1x1024x128xf32> to vector<1024x128xf32>
    %convert_element_type3A_91 = arith.truncf %get3A_90 : vector<1024x128xf32> to vector<1024x128xbf16>
    %get3A_92 = arith.constant 0 : index
    %get3A_93 = arith.constant 896 : index
    %get3A_94 = vector.load %arg2[%get3A_92, %get3A_93] : memref<128x3328xf32, #tpu.memory_space<vmem>>, vector<128x128xf32>
    %convert_element_type3A_95 = arith.truncf %get3A_94 : vector<128x128xf32> to vector<128x128xbf16>
    %dot_general3A_96 = arith.constant dense<0.000000e+00> : vector<1024x128xf32>
    %dot_general3A_97 = tpu.matmul %convert_element_type3A_91, %convert_element_type3A_95, %dot_general3A_96 {dimension_numbers = #tpu.dot_dimension_numbers<[1], [1], [0], [0], [0, 0, 1, 0], [], []>, transpose_lhs_hint = false} : vector<1024x128xbf16>, vector<128x128xbf16>, vector<1024x128xf32> -> vector<1024x128xf32>
    %add3A_98 = arith.addf %add3A_85, %dot_general3A_97 : vector<1024x128xf32>
    %get3A_99 = arith.constant 8 : index
    %get3A_100 = arith.constant 0 : index
    %get3A_101 = arith.constant 0 : index
    %get3A_102 = vector.load %arg1[%get3A_99, %get3A_100, %get3A_101] : memref<26x1024x128xf32, #tpu.memory_space<vmem>>, vector<1x1024x128xf32>
    %get3A_103 = vector.shape_cast %get3A_102 : vector<1x1024x128xf32> to vector<1024x128xf32>
    %convert_element_type3A_104 = arith.truncf %get3A_103 : vector<1024x128xf32> to vector<1024x128xbf16>
    %get3A_105 = arith.constant 0 : index
    %get3A_106 = arith.constant 1024 : index
    %get3A_107 = vector.load %arg2[%get3A_105, %get3A_106] : memref<128x3328xf32, #tpu.memory_space<vmem>>, vector<128x128xf32>
    %convert_element_type3A_108 = arith.truncf %get3A_107 : vector<128x128xf32> to vector<128x128xbf16>
    %dot_general3A_109 = arith.constant dense<0.000000e+00> : vector<1024x128xf32>
    %dot_general3A_110 = tpu.matmul %convert_element_type3A_104, %convert_element_type3A_108, %dot_general3A_109 {dimension_numbers = #tpu.dot_dimension_numbers<[1], [1], [0], [0], [0, 0, 1, 0], [], []>, transpose_lhs_hint = false} : vector<1024x128xbf16>, vector<128x128xbf16>, vector<1024x128xf32> -> vector<1024x128xf32>
    %add3A_111 = arith.addf %add3A_98, %dot_general3A_110 : vector<1024x128xf32>
    %get3A_112 = arith.constant 9 : index
    %get3A_113 = arith.constant 0 : index
    %get3A_114 = arith.constant 0 : index
    %get3A_115 = vector.load %arg1[%get3A_112, %get3A_113, %get3A_114] : memref<26x1024x128xf32, #tpu.memory_space<vmem>>, vector<1x1024x128xf32>
    %get3A_116 = vector.shape_cast %get3A_115 : vector<1x1024x128xf32> to vector<1024x128xf32>
    %convert_element_type3A_117 = arith.truncf %get3A_116 : vector<1024x128xf32> to vector<1024x128xbf16>
    %get3A_118 = arith.constant 0 : index
    %get3A_119 = arith.constant 1152 : index
    %get3A_120 = vector.load %arg2[%get3A_118, %get3A_119] : memref<128x3328xf32, #tpu.memory_space<vmem>>, vector<128x128xf32>
    %convert_element_type3A_121 = arith.truncf %get3A_120 : vector<128x128xf32> to vector<128x128xbf16>
    %dot_general3A_122 = arith.constant dense<0.000000e+00> : vector<1024x128xf32>
    %dot_general3A_123 = tpu.matmul %convert_element_type3A_117, %convert_element_type3A_121, %dot_general3A_122 {dimension_numbers = #tpu.dot_dimension_numbers<[1], [1], [0], [0], [0, 0, 1, 0], [], []>, transpose_lhs_hint = false} : vector<1024x128xbf16>, vector<128x128xbf16>, vector<1024x128xf32> -> vector<1024x128xf32>
    %add3A_124 = arith.addf %add3A_111, %dot_general3A_123 : vector<1024x128xf32>
    %get3A_125 = arith.constant 10 : index
    %get3A_126 = arith.constant 0 : index
    %get3A_127 = arith.constant 0 : index
    %get3A_128 = vector.load %arg1[%get3A_125, %get3A_126, %get3A_127] : memref<26x1024x128xf32, #tpu.memory_space<vmem>>, vector<1x1024x128xf32>
    %get3A_129 = vector.shape_cast %get3A_128 : vector<1x1024x128xf32> to vector<1024x128xf32>
    %convert_element_type3A_130 = arith.truncf %get3A_129 : vector<1024x128xf32> to vector<1024x128xbf16>
    %get3A_131 = arith.constant 0 : index
    %get3A_132 = arith.constant 1280 : index
    %get3A_133 = vector.load %arg2[%get3A_131, %get3A_132] : memref<128x3328xf32, #tpu.memory_space<vmem>>, vector<128x128xf32>
    %convert_element_type3A_134 = arith.truncf %get3A_133 : vector<128x128xf32> to vector<128x128xbf16>
    %dot_general3A_135 = arith.constant dense<0.000000e+00> : vector<1024x128xf32>
    %dot_general3A_136 = tpu.matmul %convert_element_type3A_130, %convert_element_type3A_134, %dot_general3A_135 {dimension_numbers = #tpu.dot_dimension_numbers<[1], [1], [0], [0], [0, 0, 1, 0], [], []>, transpose_lhs_hint = false} : vector<1024x128xbf16>, vector<128x128xbf16>, vector<1024x128xf32> -> vector<1024x128xf32>
    %add3A_137 = arith.addf %add3A_124, %dot_general3A_136 : vector<1024x128xf32>
    %get3A_138 = arith.constant 11 : index
    %get3A_139 = arith.constant 0 : index
    %get3A_140 = arith.constant 0 : index
    %get3A_141 = vector.load %arg1[%get3A_138, %get3A_139, %get3A_140] : memref<26x1024x128xf32, #tpu.memory_space<vmem>>, vector<1x1024x128xf32>
    %get3A_142 = vector.shape_cast %get3A_141 : vector<1x1024x128xf32> to vector<1024x128xf32>
    %convert_element_type3A_143 = arith.truncf %get3A_142 : vector<1024x128xf32> to vector<1024x128xbf16>
    %get3A_144 = arith.constant 0 : index
    %get3A_145 = arith.constant 1408 : index
    %get3A_146 = vector.load %arg2[%get3A_144, %get3A_145] : memref<128x3328xf32, #tpu.memory_space<vmem>>, vector<128x128xf32>
    %convert_element_type3A_147 = arith.truncf %get3A_146 : vector<128x128xf32> to vector<128x128xbf16>
    %dot_general3A_148 = arith.constant dense<0.000000e+00> : vector<1024x128xf32>
    %dot_general3A_149 = tpu.matmul %convert_element_type3A_143, %convert_element_type3A_147, %dot_general3A_148 {dimension_numbers = #tpu.dot_dimension_numbers<[1], [1], [0], [0], [0, 0, 1, 0], [], []>, transpose_lhs_hint = false} : vector<1024x128xbf16>, vector<128x128xbf16>, vector<1024x128xf32> -> vector<1024x128xf32>
    %add3A_150 = arith.addf %add3A_137, %dot_general3A_149 : vector<1024x128xf32>
    %get3A_151 = arith.constant 12 : index
    %get3A_152 = arith.constant 0 : index
    %get3A_153 = arith.constant 0 : index
    %get3A_154 = vector.load %arg1[%get3A_151, %get3A_152, %get3A_153] : memref<26x1024x128xf32, #tpu.memory_space<vmem>>, vector<1x1024x128xf32>
    %get3A_155 = vector.shape_cast %get3A_154 : vector<1x1024x128xf32> to vector<1024x128xf32>
    %convert_element_type3A_156 = arith.truncf %get3A_155 : vector<1024x128xf32> to vector<1024x128xbf16>
    %get3A_157 = arith.constant 0 : index
    %get3A_158 = arith.constant 1536 : index
    %get3A_159 = vector.load %arg2[%get3A_157, %get3A_158] : memref<128x3328xf32, #tpu.memory_space<vmem>>, vector<128x128xf32>
    %convert_element_type3A_160 = arith.truncf %get3A_159 : vector<128x128xf32> to vector<128x128xbf16>
    %dot_general3A_161 = arith.constant dense<0.000000e+00> : vector<1024x128xf32>
    %dot_general3A_162 = tpu.matmul %convert_element_type3A_156, %convert_element_type3A_160, %dot_general3A_161 {dimension_numbers = #tpu.dot_dimension_numbers<[1], [1], [0], [0], [0, 0, 1, 0], [], []>, transpose_lhs_hint = false} : vector<1024x128xbf16>, vector<128x128xbf16>, vector<1024x128xf32> -> vector<1024x128xf32>
    %add3A_163 = arith.addf %add3A_150, %dot_general3A_162 : vector<1024x128xf32>
    %get3A_164 = arith.constant 13 : index
    %get3A_165 = arith.constant 0 : index
    %get3A_166 = arith.constant 0 : index
    %get3A_167 = vector.load %arg1[%get3A_164, %get3A_165, %get3A_166] : memref<26x1024x128xf32, #tpu.memory_space<vmem>>, vector<1x1024x128xf32>
    %get3A_168 = vector.shape_cast %get3A_167 : vector<1x1024x128xf32> to vector<1024x128xf32>
    %convert_element_type3A_169 = arith.truncf %get3A_168 : vector<1024x128xf32> to vector<1024x128xbf16>
    %get3A_170 = arith.constant 0 : index
    %get3A_171 = arith.constant 1664 : index
    %get3A_172 = vector.load %arg2[%get3A_170, %get3A_171] : memref<128x3328xf32, #tpu.memory_space<vmem>>, vector<128x128xf32>
    %convert_element_type3A_173 = arith.truncf %get3A_172 : vector<128x128xf32> to vector<128x128xbf16>
    %dot_general3A_174 = arith.constant dense<0.000000e+00> : vector<1024x128xf32>
    %dot_general3A_175 = tpu.matmul %convert_element_type3A_169, %convert_element_type3A_173, %dot_general3A_174 {dimension_numbers = #tpu.dot_dimension_numbers<[1], [1], [0], [0], [0, 0, 1, 0], [], []>, transpose_lhs_hint = false} : vector<1024x128xbf16>, vector<128x128xbf16>, vector<1024x128xf32> -> vector<1024x128xf32>
    %add3A_176 = arith.addf %add3A_163, %dot_general3A_175 : vector<1024x128xf32>
    %get3A_177 = arith.constant 14 : index
    %get3A_178 = arith.constant 0 : index
    %get3A_179 = arith.constant 0 : index
    %get3A_180 = vector.load %arg1[%get3A_177, %get3A_178, %get3A_179] : memref<26x1024x128xf32, #tpu.memory_space<vmem>>, vector<1x1024x128xf32>
    %get3A_181 = vector.shape_cast %get3A_180 : vector<1x1024x128xf32> to vector<1024x128xf32>
    %convert_element_type3A_182 = arith.truncf %get3A_181 : vector<1024x128xf32> to vector<1024x128xbf16>
    %get3A_183 = arith.constant 0 : index
    %get3A_184 = arith.constant 1792 : index
    %get3A_185 = vector.load %arg2[%get3A_183, %get3A_184] : memref<128x3328xf32, #tpu.memory_space<vmem>>, vector<128x128xf32>
    %convert_element_type3A_186 = arith.truncf %get3A_185 : vector<128x128xf32> to vector<128x128xbf16>
    %dot_general3A_187 = arith.constant dense<0.000000e+00> : vector<1024x128xf32>
    %dot_general3A_188 = tpu.matmul %convert_element_type3A_182, %convert_element_type3A_186, %dot_general3A_187 {dimension_numbers = #tpu.dot_dimension_numbers<[1], [1], [0], [0], [0, 0, 1, 0], [], []>, transpose_lhs_hint = false} : vector<1024x128xbf16>, vector<128x128xbf16>, vector<1024x128xf32> -> vector<1024x128xf32>
    %add3A_189 = arith.addf %add3A_176, %dot_general3A_188 : vector<1024x128xf32>
    %get3A_190 = arith.constant 15 : index
    %get3A_191 = arith.constant 0 : index
    %get3A_192 = arith.constant 0 : index
    %get3A_193 = vector.load %arg1[%get3A_190, %get3A_191, %get3A_192] : memref<26x1024x128xf32, #tpu.memory_space<vmem>>, vector<1x1024x128xf32>
    %get3A_194 = vector.shape_cast %get3A_193 : vector<1x1024x128xf32> to vector<1024x128xf32>
    %convert_element_type3A_195 = arith.truncf %get3A_194 : vector<1024x128xf32> to vector<1024x128xbf16>
    %get3A_196 = arith.constant 0 : index
    %get3A_197 = arith.constant 1920 : index
    %get3A_198 = vector.load %arg2[%get3A_196, %get3A_197] : memref<128x3328xf32, #tpu.memory_space<vmem>>, vector<128x128xf32>
    %convert_element_type3A_199 = arith.truncf %get3A_198 : vector<128x128xf32> to vector<128x128xbf16>
    %dot_general3A_200 = arith.constant dense<0.000000e+00> : vector<1024x128xf32>
    %dot_general3A_201 = tpu.matmul %convert_element_type3A_195, %convert_element_type3A_199, %dot_general3A_200 {dimension_numbers = #tpu.dot_dimension_numbers<[1], [1], [0], [0], [0, 0, 1, 0], [], []>, transpose_lhs_hint = false} : vector<1024x128xbf16>, vector<128x128xbf16>, vector<1024x128xf32> -> vector<1024x128xf32>
    %add3A_202 = arith.addf %add3A_189, %dot_general3A_201 : vector<1024x128xf32>
    %get3A_203 = arith.constant 16 : index
    %get3A_204 = arith.constant 0 : index
    %get3A_205 = arith.constant 0 : index
    %get3A_206 = vector.load %arg1[%get3A_203, %get3A_204, %get3A_205] : memref<26x1024x128xf32, #tpu.memory_space<vmem>>, vector<1x1024x128xf32>
    %get3A_207 = vector.shape_cast %get3A_206 : vector<1x1024x128xf32> to vector<1024x128xf32>
    %convert_element_type3A_208 = arith.truncf %get3A_207 : vector<1024x128xf32> to vector<1024x128xbf16>
    %get3A_209 = arith.constant 0 : index
    %get3A_210 = arith.constant 2048 : index
    %get3A_211 = vector.load %arg2[%get3A_209, %get3A_210] : memref<128x3328xf32, #tpu.memory_space<vmem>>, vector<128x128xf32>
    %convert_element_type3A_212 = arith.truncf %get3A_211 : vector<128x128xf32> to vector<128x128xbf16>
    %dot_general3A_213 = arith.constant dense<0.000000e+00> : vector<1024x128xf32>
    %dot_general3A_214 = tpu.matmul %convert_element_type3A_208, %convert_element_type3A_212, %dot_general3A_213 {dimension_numbers = #tpu.dot_dimension_numbers<[1], [1], [0], [0], [0, 0, 1, 0], [], []>, transpose_lhs_hint = false} : vector<1024x128xbf16>, vector<128x128xbf16>, vector<1024x128xf32> -> vector<1024x128xf32>
    %add3A_215 = arith.addf %add3A_202, %dot_general3A_214 : vector<1024x128xf32>
    %get3A_216 = arith.constant 17 : index
    %get3A_217 = arith.constant 0 : index
    %get3A_218 = arith.constant 0 : index
    %get3A_219 = vector.load %arg1[%get3A_216, %get3A_217, %get3A_218] : memref<26x1024x128xf32, #tpu.memory_space<vmem>>, vector<1x1024x128xf32>
    %get3A_220 = vector.shape_cast %get3A_219 : vector<1x1024x128xf32> to vector<1024x128xf32>
    %convert_element_type3A_221 = arith.truncf %get3A_220 : vector<1024x128xf32> to vector<1024x128xbf16>
    %get3A_222 = arith.constant 0 : index
    %get3A_223 = arith.constant 2176 : index
    %get3A_224 = vector.load %arg2[%get3A_222, %get3A_223] : memref<128x3328xf32, #tpu.memory_space<vmem>>, vector<128x128xf32>
    %convert_element_type3A_225 = arith.truncf %get3A_224 : vector<128x128xf32> to vector<128x128xbf16>
    %dot_general3A_226 = arith.constant dense<0.000000e+00> : vector<1024x128xf32>
    %dot_general3A_227 = tpu.matmul %convert_element_type3A_221, %convert_element_type3A_225, %dot_general3A_226 {dimension_numbers = #tpu.dot_dimension_numbers<[1], [1], [0], [0], [0, 0, 1, 0], [], []>, transpose_lhs_hint = false} : vector<1024x128xbf16>, vector<128x128xbf16>, vector<1024x128xf32> -> vector<1024x128xf32>
    %add3A_228 = arith.addf %add3A_215, %dot_general3A_227 : vector<1024x128xf32>
    %get3A_229 = arith.constant 18 : index
    %get3A_230 = arith.constant 0 : index
    %get3A_231 = arith.constant 0 : index
    %get3A_232 = vector.load %arg1[%get3A_229, %get3A_230, %get3A_231] : memref<26x1024x128xf32, #tpu.memory_space<vmem>>, vector<1x1024x128xf32>
    %get3A_233 = vector.shape_cast %get3A_232 : vector<1x1024x128xf32> to vector<1024x128xf32>
    %convert_element_type3A_234 = arith.truncf %get3A_233 : vector<1024x128xf32> to vector<1024x128xbf16>
    %get3A_235 = arith.constant 0 : index
    %get3A_236 = arith.constant 2304 : index
    %get3A_237 = vector.load %arg2[%get3A_235, %get3A_236] : memref<128x3328xf32, #tpu.memory_space<vmem>>, vector<128x128xf32>
    %convert_element_type3A_238 = arith.truncf %get3A_237 : vector<128x128xf32> to vector<128x128xbf16>
    %dot_general3A_239 = arith.constant dense<0.000000e+00> : vector<1024x128xf32>
    %dot_general3A_240 = tpu.matmul %convert_element_type3A_234, %convert_element_type3A_238, %dot_general3A_239 {dimension_numbers = #tpu.dot_dimension_numbers<[1], [1], [0], [0], [0, 0, 1, 0], [], []>, transpose_lhs_hint = false} : vector<1024x128xbf16>, vector<128x128xbf16>, vector<1024x128xf32> -> vector<1024x128xf32>
    %add3A_241 = arith.addf %add3A_228, %dot_general3A_240 : vector<1024x128xf32>
    %get3A_242 = arith.constant 19 : index
    %get3A_243 = arith.constant 0 : index
    %get3A_244 = arith.constant 0 : index
    %get3A_245 = vector.load %arg1[%get3A_242, %get3A_243, %get3A_244] : memref<26x1024x128xf32, #tpu.memory_space<vmem>>, vector<1x1024x128xf32>
    %get3A_246 = vector.shape_cast %get3A_245 : vector<1x1024x128xf32> to vector<1024x128xf32>
    %convert_element_type3A_247 = arith.truncf %get3A_246 : vector<1024x128xf32> to vector<1024x128xbf16>
    %get3A_248 = arith.constant 0 : index
    %get3A_249 = arith.constant 2432 : index
    %get3A_250 = vector.load %arg2[%get3A_248, %get3A_249] : memref<128x3328xf32, #tpu.memory_space<vmem>>, vector<128x128xf32>
    %convert_element_type3A_251 = arith.truncf %get3A_250 : vector<128x128xf32> to vector<128x128xbf16>
    %dot_general3A_252 = arith.constant dense<0.000000e+00> : vector<1024x128xf32>
    %dot_general3A_253 = tpu.matmul %convert_element_type3A_247, %convert_element_type3A_251, %dot_general3A_252 {dimension_numbers = #tpu.dot_dimension_numbers<[1], [1], [0], [0], [0, 0, 1, 0], [], []>, transpose_lhs_hint = false} : vector<1024x128xbf16>, vector<128x128xbf16>, vector<1024x128xf32> -> vector<1024x128xf32>
    %add3A_254 = arith.addf %add3A_241, %dot_general3A_253 : vector<1024x128xf32>
    %get3A_255 = arith.constant 20 : index
    %get3A_256 = arith.constant 0 : index
    %get3A_257 = arith.constant 0 : index
    %get3A_258 = vector.load %arg1[%get3A_255, %get3A_256, %get3A_257] : memref<26x1024x128xf32, #tpu.memory_space<vmem>>, vector<1x1024x128xf32>
    %get3A_259 = vector.shape_cast %get3A_258 : vector<1x1024x128xf32> to vector<1024x128xf32>
    %convert_element_type3A_260 = arith.truncf %get3A_259 : vector<1024x128xf32> to vector<1024x128xbf16>
    %get3A_261 = arith.constant 0 : index
    %get3A_262 = arith.constant 2560 : index
    %get3A_263 = vector.load %arg2[%get3A_261, %get3A_262] : memref<128x3328xf32, #tpu.memory_space<vmem>>, vector<128x128xf32>
    %convert_element_type3A_264 = arith.truncf %get3A_263 : vector<128x128xf32> to vector<128x128xbf16>
    %dot_general3A_265 = arith.constant dense<0.000000e+00> : vector<1024x128xf32>
    %dot_general3A_266 = tpu.matmul %convert_element_type3A_260, %convert_element_type3A_264, %dot_general3A_265 {dimension_numbers = #tpu.dot_dimension_numbers<[1], [1], [0], [0], [0, 0, 1, 0], [], []>, transpose_lhs_hint = false} : vector<1024x128xbf16>, vector<128x128xbf16>, vector<1024x128xf32> -> vector<1024x128xf32>
    %add3A_267 = arith.addf %add3A_254, %dot_general3A_266 : vector<1024x128xf32>
    %get3A_268 = arith.constant 21 : index
    %get3A_269 = arith.constant 0 : index
    %get3A_270 = arith.constant 0 : index
    %get3A_271 = vector.load %arg1[%get3A_268, %get3A_269, %get3A_270] : memref<26x1024x128xf32, #tpu.memory_space<vmem>>, vector<1x1024x128xf32>
    %get3A_272 = vector.shape_cast %get3A_271 : vector<1x1024x128xf32> to vector<1024x128xf32>
    %convert_element_type3A_273 = arith.truncf %get3A_272 : vector<1024x128xf32> to vector<1024x128xbf16>
    %get3A_274 = arith.constant 0 : index
    %get3A_275 = arith.constant 2688 : index
    %get3A_276 = vector.load %arg2[%get3A_274, %get3A_275] : memref<128x3328xf32, #tpu.memory_space<vmem>>, vector<128x128xf32>
    %convert_element_type3A_277 = arith.truncf %get3A_276 : vector<128x128xf32> to vector<128x128xbf16>
    %dot_general3A_278 = arith.constant dense<0.000000e+00> : vector<1024x128xf32>
    %dot_general3A_279 = tpu.matmul %convert_element_type3A_273, %convert_element_type3A_277, %dot_general3A_278 {dimension_numbers = #tpu.dot_dimension_numbers<[1], [1], [0], [0], [0, 0, 1, 0], [], []>, transpose_lhs_hint = false} : vector<1024x128xbf16>, vector<128x128xbf16>, vector<1024x128xf32> -> vector<1024x128xf32>
    %add3A_280 = arith.addf %add3A_267, %dot_general3A_279 : vector<1024x128xf32>
    %get3A_281 = arith.constant 22 : index
    %get3A_282 = arith.constant 0 : index
    %get3A_283 = arith.constant 0 : index
    %get3A_284 = vector.load %arg1[%get3A_281, %get3A_282, %get3A_283] : memref<26x1024x128xf32, #tpu.memory_space<vmem>>, vector<1x1024x128xf32>
    %get3A_285 = vector.shape_cast %get3A_284 : vector<1x1024x128xf32> to vector<1024x128xf32>
    %convert_element_type3A_286 = arith.truncf %get3A_285 : vector<1024x128xf32> to vector<1024x128xbf16>
    %get3A_287 = arith.constant 0 : index
    %get3A_288 = arith.constant 2816 : index
    %get3A_289 = vector.load %arg2[%get3A_287, %get3A_288] : memref<128x3328xf32, #tpu.memory_space<vmem>>, vector<128x128xf32>
    %convert_element_type3A_290 = arith.truncf %get3A_289 : vector<128x128xf32> to vector<128x128xbf16>
    %dot_general3A_291 = arith.constant dense<0.000000e+00> : vector<1024x128xf32>
    %dot_general3A_292 = tpu.matmul %convert_element_type3A_286, %convert_element_type3A_290, %dot_general3A_291 {dimension_numbers = #tpu.dot_dimension_numbers<[1], [1], [0], [0], [0, 0, 1, 0], [], []>, transpose_lhs_hint = false} : vector<1024x128xbf16>, vector<128x128xbf16>, vector<1024x128xf32> -> vector<1024x128xf32>
    %add3A_293 = arith.addf %add3A_280, %dot_general3A_292 : vector<1024x128xf32>
    %get3A_294 = arith.constant 23 : index
    %get3A_295 = arith.constant 0 : index
    %get3A_296 = arith.constant 0 : index
    %get3A_297 = vector.load %arg1[%get3A_294, %get3A_295, %get3A_296] : memref<26x1024x128xf32, #tpu.memory_space<vmem>>, vector<1x1024x128xf32>
    %get3A_298 = vector.shape_cast %get3A_297 : vector<1x1024x128xf32> to vector<1024x128xf32>
    %convert_element_type3A_299 = arith.truncf %get3A_298 : vector<1024x128xf32> to vector<1024x128xbf16>
    %get3A_300 = arith.constant 0 : index
    %get3A_301 = arith.constant 2944 : index
    %get3A_302 = vector.load %arg2[%get3A_300, %get3A_301] : memref<128x3328xf32, #tpu.memory_space<vmem>>, vector<128x128xf32>
    %convert_element_type3A_303 = arith.truncf %get3A_302 : vector<128x128xf32> to vector<128x128xbf16>
    %dot_general3A_304 = arith.constant dense<0.000000e+00> : vector<1024x128xf32>
    %dot_general3A_305 = tpu.matmul %convert_element_type3A_299, %convert_element_type3A_303, %dot_general3A_304 {dimension_numbers = #tpu.dot_dimension_numbers<[1], [1], [0], [0], [0, 0, 1, 0], [], []>, transpose_lhs_hint = false} : vector<1024x128xbf16>, vector<128x128xbf16>, vector<1024x128xf32> -> vector<1024x128xf32>
    %add3A_306 = arith.addf %add3A_293, %dot_general3A_305 : vector<1024x128xf32>
    %get3A_307 = arith.constant 24 : index
    %get3A_308 = arith.constant 0 : index
    %get3A_309 = arith.constant 0 : index
    %get3A_310 = vector.load %arg1[%get3A_307, %get3A_308, %get3A_309] : memref<26x1024x128xf32, #tpu.memory_space<vmem>>, vector<1x1024x128xf32>
    %get3A_311 = vector.shape_cast %get3A_310 : vector<1x1024x128xf32> to vector<1024x128xf32>
    %convert_element_type3A_312 = arith.truncf %get3A_311 : vector<1024x128xf32> to vector<1024x128xbf16>
    %get3A_313 = arith.constant 0 : index
    %get3A_314 = arith.constant 3072 : index
    %get3A_315 = vector.load %arg2[%get3A_313, %get3A_314] : memref<128x3328xf32, #tpu.memory_space<vmem>>, vector<128x128xf32>
    %convert_element_type3A_316 = arith.truncf %get3A_315 : vector<128x128xf32> to vector<128x128xbf16>
    %dot_general3A_317 = arith.constant dense<0.000000e+00> : vector<1024x128xf32>
    %dot_general3A_318 = tpu.matmul %convert_element_type3A_312, %convert_element_type3A_316, %dot_general3A_317 {dimension_numbers = #tpu.dot_dimension_numbers<[1], [1], [0], [0], [0, 0, 1, 0], [], []>, transpose_lhs_hint = false} : vector<1024x128xbf16>, vector<128x128xbf16>, vector<1024x128xf32> -> vector<1024x128xf32>
    %add3A_319 = arith.addf %add3A_306, %dot_general3A_318 : vector<1024x128xf32>
    %get3A_320 = arith.constant 25 : index
    %get3A_321 = arith.constant 0 : index
    %get3A_322 = arith.constant 0 : index
    %get3A_323 = vector.load %arg1[%get3A_320, %get3A_321, %get3A_322] : memref<26x1024x128xf32, #tpu.memory_space<vmem>>, vector<1x1024x128xf32>
    %get3A_324 = vector.shape_cast %get3A_323 : vector<1x1024x128xf32> to vector<1024x128xf32>
    %convert_element_type3A_325 = arith.truncf %get3A_324 : vector<1024x128xf32> to vector<1024x128xbf16>
    %get3A_326 = arith.constant 0 : index
    %get3A_327 = arith.constant 3200 : index
    %get3A_328 = vector.load %arg2[%get3A_326, %get3A_327] : memref<128x3328xf32, #tpu.memory_space<vmem>>, vector<128x128xf32>
    %convert_element_type3A_329 = arith.truncf %get3A_328 : vector<128x128xf32> to vector<128x128xbf16>
    %dot_general3A_330 = arith.constant dense<0.000000e+00> : vector<1024x128xf32>
    %dot_general3A_331 = tpu.matmul %convert_element_type3A_325, %convert_element_type3A_329, %dot_general3A_330 {dimension_numbers = #tpu.dot_dimension_numbers<[1], [1], [0], [0], [0, 0, 1, 0], [], []>, transpose_lhs_hint = false} : vector<1024x128xbf16>, vector<128x128xbf16>, vector<1024x128xf32> -> vector<1024x128xf32>
    %add3A_332 = arith.addf %add3A_319, %dot_general3A_331 : vector<1024x128xf32>
    %swap3A = arith.constant 0 : index
    %swap3A_333 = arith.constant 0 : index
    %swap3A_334 = vector.load %arg3[%swap3A, %swap3A_333] : memref<1024x128xf32, #tpu.memory_space<vmem>>, vector<1024x128xf32>
    tpu.vector_store %arg3[%swap3A, %swap3A_333], %add3A_332 {strides = array<i32>} : memref<1024x128xf32, #tpu.memory_space<vmem>>, vector<1024x128xf32>,
    return
  }
  func.func @transform_0(%arg0: i32) -> (i32, i32, i32) {
    %c0_i32 = arith.constant 0 : i32
    %c0_i32_0 = arith.constant 0 : i32
    %c0_i32_1 = arith.constant 0 : i32
    return %c0_i32, %arg0, %c0_i32_0 : i32, i32, i32
  }
  func.func @transform_1(%arg0: i32) -> (i32, i32) {
    %c0_i32 = arith.constant 0 : i32
    %c0_i32_0 = arith.constant 0 : i32
    %c0_i32_1 = arith.constant 0 : i32
    return %c0_i32, %c0_i32_0 : i32, i32
  }
  func.func @transform_2(%arg0: i32) -> (i32, i32) {
    %c0_i32 = arith.constant 0 : i32
    %c0_i32_0 = arith.constant 0 : i32
    return %arg0, %c0_i32 : i32, i32
  }
}

</mosaic_0001>

<sc_bundles>
// kernel: kernel.4.cloned.1.call-start
scs
__scs_entry_jumppad:
0x0: {  	(pc) =	sbr.rel $0x88, $3  }
0x1: {  	(tag) =	ssettag $0x0;
	lr =	simm.s32 $0x1  }
0x2: {  	[smem:$0x3F9E] =	sst lr;
	_ =	strace $0xD0000000  }
0x3: {  	_ = 	snop  }
0x4: {  	_ = 	snop  }
0x5: {  	_ = 	snop  }
0x6: {  	_ = 	snop  }
0x7: {  	_ = 	snop  }
__scs_overlays_trampoline_lowered:
0x8: {  	[smem:$0x3FAD] =	sst s0  }
0x9: {  	[smem:$0x3FAE] =	sst s1  }
0xa: {  	[smem:$0x3FAF] =	sst s2  }
0xb: {  	[smem:$0x3FB0] =	sst s3  }
0xc: {  	[smem:$0x3FB1] =	sst s4  }
0xd: {  	[smem:$0x3FB2] =	sst s5  }
0xe: {  	[smem:$0x3FB3] =	sst s6  }
0xf: {  	[smem:$0x3FB4] =	sst s7  }
0x10: {  	[smem:$0x3FB5] =	sst s8  }
0x11: {  	[smem:$0x3FB6] =	sst s9;
	s0 =	simm.s32 @!p0 $0x0  }
0x12: {  	s1 =	sld [smem:$0x3F9C];
	s0 =	simm.s32 @p0 $0x1  }
0x13: {  	[smem:$0x3FB7] =	sst s0;
	s0 =	simm.s32 @!p1 $0x0  }
0x14: {  	s2 =	sld [smem:$0x3F9B];
	s0 =	simm.s32 @p1 $0x1  }
0x15: {  	[smem:$0x3FB8] =	sst s0;
	s0 =	simm.s32 @!p2 $0x0  }
0x16: {  	s3 =	sld [smem:$0x3FDB];
	s0 =	simm.s32 @p2 $0x1  }
0x17: {  	s4 =	simm.s32 $0x1BF5;
	[smem:$0x3FBA] =	sst s0  }
0x18: {  	s0 =	sld [smem:$0x3F9D];
	_ =	swait.ge [sflag:s4], $0x0  }
0x19: {  	s7 =	sld [smem:$0x3F9E]  }
0x1a: {  	s8 =	sadd.s32 $0xFFFFE003, lr  }
0x1b: {  	s9 =	sadd.s32 $0xFFFFFEF7, lr;
	s5 =	simm.s32 $0xFFFFFFFF;
	p2 =	slt.u32 s8, $0xFFFFF086  }
0x1c: {  	p1 =	slt.u32 s9, $0xF7A;
	s5 =	simm.s32 @!p2 $0x0  }
0x1d: {  	s5 =	simm.s32 @p1 $0x1;
	p0 =	seq.s32 s7, s2  }
0x1e: {  	s7 =	smul.u32 @!p0 $0xF7A, s2;
	p2 =	seq.s32 @!p0 s5, $0x0  }
0x1f: {  	s9 =	smul.u32 $0xF7A, s1;
	s8 =	simm.s32 @!p0 $0x1BF5;
	p2 =	por !p2, p0  }
0x20: {  	[sflag:s8] =	ssyncset.s32 @!p0 $0xFFFFF086;
	s6 =	sadd.s32 @!p0 s3, s7;
	s7 =	simm.s32 @!p0 $0x108  }
0x21: {  	s3 =	sadd.s32 s3, s9;
	s6 =	sadd.s32 @!p0 $0x88, s6;
	s7 =	simm.s32 @p2 $0x1082  }
0x22: {  	[simem:s7], [sflag:s8] =	dma.local @!p0 [hbm:s6], $0xF7A  }
0x23: {  	s9 =	sor.u32 $0xD0000000, s2;
	s6 =	simm.s32 $0x108;
	_ =	swait.ge @!p0 [sflag:s8], $0x0  }
0x24: {  	s3 =	sadd.s32 $0x88, s3;
	s6 =	simm.s32 @!p1 $0x1082;
	[sflag:s4] =	ssyncset.s32 $0xFFFFF086  }
0x25: {  	[simem:s6], [sflag:s4] =	dma.local [hbm:s3], $0xF7A  }
0x26: {  	[smem:$0x3F9E] =	sst s1;
	(tag) =	ssettag s2;
	_ =	strace s9  }
0x27: {  	s1 =	sld [smem:$0x3FAE]  }
0x28: {  	s2 =	sld [smem:$0x3FAF]  }
0x29: {  	s4 =	sld [smem:$0x3FB1]  }
0x2a: {  	p0 =	seq.s32 s5, $0x0;
	s5 =	sld [smem:$0x3FB2]  }
0x2b: {  	s6 =	sld [smem:$0x3FB3]  }
0x2c: {  	s7 =	sld [smem:$0x3FB4]  }
0x2d: {  	s3 =	simm.s32 $0x108;
	s8 =	sld [smem:$0x3FB5]  }
0x2e: {  	s3 =	simm.s32 @!p0 $0x1082;
	s9 =	sld [smem:$0x3FB6]  }
0x2f: {  	lr =	sadd.s32 s0, s3;
	s0 =	sld [smem:$0x3FAD]  }
0x30: {  	s3 =	sld [smem:$0x3FB0]  }
0x31: {  	[smem:$0x3FB9] =	sst s10  }
0x32: {  	s10 =	sld [smem:$0x3FB7];
	_ =	sdelay $0x3  }
0x33: {  	p0 =	seq.s32 s10, $0x1;
	s10 =	sld [smem:$0x3FB9];
	_ =	sdelay $0x3  }
0x34: {  	[smem:$0x3FB9] =	sst s10  }
0x35: {  	s10 =	sld [smem:$0x3FB8];
	_ =	sdelay $0x3  }
0x36: {  	p1 =	seq.s32 s10, $0x1;
	s10 =	sld [smem:$0x3FB9];
	_ =	sdelay $0x3  }
0x37: {  	[smem:$0x3FB9] =	sst s10  }
0x38: {  	s10 =	sld [smem:$0x3FBA]  }
0x39: {  	_ = 	snop;
	(pc) =	sbr.ind lr, $3  }
0x3a: {  	_ = 	snop  }
0x3b: {  	_ = 	snop  }
0x3c: {  	p2 =	seq.s32 s10, $0x1;
	s10 =	sld [smem:$0x3FB9]  }
0x3d: {  	_ =	shalt  }
0x3e: {  	_ =	shalt  }
0x3f: {  	_ =	shalt  }
0x40: {  	_ =	shalt  }
0x41: {  	_ =	shalt  }
0x42: {  	_ =	shalt  }
0x43: {  	_ =	shalt  }
0x44: {  	_ =	shalt  }
0x45: {  	_ =	shalt  }
0x46: {  	_ =	shalt  }
0x47: {  	_ =	shalt  }
0x48: {  	_ =	shalt  }
0x49: {  	_ =	shalt  }
0x4a: {  	_ =	shalt  }
0x4b: {  	_ =	shalt  }
0x4c: {  	_ =	shalt  }
0x4d: {  	_ =	shalt  }
0x4e: {  	_ =	shalt  }
0x4f: {  	_ =	shalt  }
0x50: {  	_ =	shalt  }
0x51: {  	_ =	shalt  }
0x52: {  	_ =	shalt  }
0x53: {  	_ =	shalt  }
0x54: {  	_ =	shalt  }
0x55: {  	_ =	shalt  }
0x56: {  	_ =	shalt  }
0x57: {  	_ =	shalt  }
0x58: {  	_ =	shalt  }
0x59: {  	_ =	shalt  }
0x5a: {  	_ =	shalt  }
0x5b: {  	_ =	shalt  }
0x5c: {  	_ =	shalt  }
0x5d: {  	_ =	shalt  }
0x5e: {  	_ =	shalt  }
0x5f: {  	_ =	shalt  }
0x60: {  	_ =	shalt  }
0x61: {  	_ =	shalt  }
0x62: {  	_ =	shalt  }
0x63: {  	_ =	shalt  }
0x64: {  	_ =	shalt  }
0x65: {  	_ =	shalt  }
0x66: {  	_ =	shalt  }
0x67: {  	_ =	shalt  }
0x68: {  	_ =	shalt  }
0x69: {  	_ =	shalt  }
0x6a: {  	_ =	shalt  }
0x6b: {  	_ =	shalt  }
0x6c: {  	_ =	shalt  }
0x6d: {  	_ =	shalt  }
0x6e: {  	_ =	shalt  }
0x6f: {  	_ =	shalt  }
0x70: {  	_ =	shalt  }
0x71: {  	_ =	shalt  }
0x72: {  	_ =	shalt  }
0x73: {  	_ =	shalt  }
0x74: {  	_ =	shalt  }
0x75: {  	_ =	shalt  }
0x76: {  	_ =	shalt  }
0x77: {  	_ =	shalt  }
0x78: {  	_ =	shalt  }
0x79: {  	_ =	shalt  }
0x7a: {  	_ =	shalt  }
0x7b: {  	_ =	shalt  }
0x7c: {  	_ =	shalt  }
0x7d: {  	_ =	shalt  }
0x7e: {  	_ =	shalt  }
0x7f: {  	_ =	shalt  }
0x80: {  	_ =	shalt  }
0x81: {  	_ =	shalt  }
0x82: {  	_ =	shalt  }
0x83: {  	_ =	shalt  }
0x84: {  	_ =	shalt  }
0x85: {  	_ =	shalt  }
0x86: {  	_ =	shalt  }
0x87: {  	_ =	shalt  }
.Lfunc_end0:
.L_simem_size_0:
called_computation_lowered:
.L_overlay_start_0:
0x88: {  	s2 =	sld [smem:$0x3FD9]  }
0x89: {  	s3 =	sld [smem:$0x3FFE];
	_ =	sdelay $0x1  }
0x8a: {  	s1 =	srdreg.scid  }
0x8b: {  	s0 =	sand.u32 $0x1, s1  }
0x8c: {  	s17 =	sshll.u32 s0, $0xA;
	s2 =	sadd.s32 s3, s2  }
0x8d: {  	s2 =	sadd.s32 s2, s17  }
0x8e: {  	[smem:$0x3FC5] =	sst s2  }
0x8f: {  	_ = 	snop  }
0x90: {  	s2 =	sld [smem:$0x3FC8]  }
0x91: {  	s18 =	sld [smem:$0x3FD0];
	(tm) =	ssettm $0x1  }
0x92: {  	s4 =	sld [smem:$0x3FFB];
	_ =	sdelay $0x3  }
0x93: {  	_ =	strace s4  }
0x94: {  	s4 =	sld [smem:$0x3FFC];
	_ =	sdelay $0x3  }
0x95: {  	_ =	strace s4  }
0x96: {  	s4 =	sld [smem:$0x3FFD];
	_ =	sdelay $0x3  }
0x97: {  	_ =	strace s4  }
0x98: {  	_ =	strace $0x8FFFFFFF  }
0x99: {  	s19 =	sld [smem:$0x3FDB];
	_ =	sdelay $0x1  }
0x9a: {  	s5 =	simm.s32 $_scs_section_size  }
0x9b: {  	s6 =	simm.s32 $_size__tile_overlayer_lowered;
	s7 =	simm.s32 $_tile_overlayer_lowered  }
0x9c: {  	s22 =	simm.s32 $0x1BFF;
	s21 =	sshll.u32 s7, $0x1;
	s4 =	sadd.s32 s5, s19  }
0x9d: {  	s8 =	simm.s32 $0x0;
	s20 =	sshll.u32 s6, $0x1;
	s6 =	sadd.s32 s21, s4  }
0x9e: {  	[timem:s8], [sflag:s22] =	dma.local [hbm:s6], s20  }
0x9f: {  	_ =	swait.ge [sflag:s22], s20  }
0xa0: {  	s5 =	ssub.s32 $0x0, s20;
	[sflag:s22] =	ssyncset.done $0x0  }
0xa1: {  	[sflag:s22] =	ssyncadd.s32 s5;
	_ =	sdelay $0x1  }
0xa2: {  	s23 =	simm.s32 $0x1B8B  }
0xa3: {  	_ =	swait.ge [sflag:s23], $0x1  }
0xa4: {  	[sflag:s23] =	ssyncset.done $0x0  }
0xa5: {  	s25 =	simm.s32 $0x1B8E;
	s24 =	sld [smem:$0x3FFE];
	[sflag:s23] =	ssyncadd.s32 $0xFFFFFFFF  }
0xa6: {  	s26 =	simm.s32 $execute0_lowered;
	[smem:$0x3FD2] =	sst s25  }
0xa7: {  	s6 =	sshll.u32 s26, $0x1;
	_ =	strace $0x80000046;
	[dreg:$0x1] =	wrdreg $0xFFFFFFFF  }
0xa8: {  	s28 =	simm.s32 $_size_execute0_lowered;
	s4 =	sadd.s32 s4, s6;
	[dreg:$0x0] =	wrdreg $0x0  }
0xa9: {  	s6 =	sshll.u32 s28, $0x1;
	[dreg:$0x2] =	wrdreg s4  }
0xaa: {  	[dreg:$0x3] =	wrdreg s6  }
0xab: {  	[dreg:$0x4] =	wrdreg $0xC0  }
0xac: {  	_ =	task [dreg:s8], $0x5FFFF  }
0xad: {  	[dreg:$0x1] =	wrdreg $0xFFFFFFFF  }
0xae: {  	[dreg:$0x0] =	wrdreg $0x60  }
0xaf: {  	[dreg:$0x2] =	wrdreg s18  }
0xb0: {  	[dreg:$0x3] =	wrdreg s2  }
0xb1: {  	[dreg:$0x4] =	wrdreg s24  }
0xb2: {  	[dreg:$0x5] =	wrdreg $0x9  }
0xb3: {  	_ =	task.clear_ibuf [dreg:s8], $0x6FFFF;
	_ =	strace $0x90000046  }
0xb4: {  	s29 =	simm.s32 $0x9;
	_ =	strace $0x80000048  }
0xb5: {  	_ =	swait.ge [sflag:s29], $0x1  }
0xb6: {  	[sflag:s29] =	ssyncadd.s32 $0xFFFFFFFF  }
0xb7: {  	_ =	strace $0x90000048  }
0xb8: {  	_ =	sfence  }
0xb9: {  	s30 =	sld [smem:$0x0];
	_ =	sdelay $0x2  }
0xba: {  	s31 =	sshll.u32 s1, $0xD;
	s1 =	sshrl.u32 s1, $0x2  }
0xbb: {  	s3 =	sand.u32 $0x4000, s31;
	s1 =	sadd.s32 s1, s30  }
0xbc: {  	s0 =	sor.u32 s3, s0;
	s1 =	sshll.u32 s1, $0x11  }
0xbd: {  	s0 =	sor.u32 s1, s0  }
0xbe: {  	s0 =	sadd.s32 $0x8F2B, s0  }
0xbf: {  	[sflag:s0] =	ssyncadd.remote.s32 $0x1  }
0xc0: {  	_ =	sfence.sel $0xFFFF  }
0xc1: {  	[dreg:$0x0] =	wrdreg $0xFFFFFFFF;
	(pc) =	sbr.abs _section_cstart, $3  }
0xc2: {  	[dreg:$0x1] =	wrdreg $0xFFFFFFFF  }
0xc3: {  	_ =	task.clear_ibuf [dreg:s8], $0x2FFFF;
	_ =	strace $0x9FFFFFFF  }
0xc4: {  	(tm) =	ssettm $0x7FFFFFFF  }
0xc5: {  	_ =	shalt  }
tec
execute0_lowered:
.L_overlay_start_1:
0x0: {  	(tag) =	ssettag $0x1  }
0x1: {  	s0 =	rddreg [dreg:$0x0]  }
0x2: {  	s1 =	srdreg.scid;
	s2 =	rddreg [dreg:$0x1]  }
0x3: {  	s12 =	stileid.u32;
	s4 =	rddreg [dreg:$0x2];
	s13 =	simm.s32 $0x80  }
0x4: {  	s14 =	simm.s32 $0x3400;
	s15 =	simm.s32 $0x7400;
	s16 =	simm.s32 $0x1  }
0x5: {  	s18 =	simm.s32 $0xB400;
	s19 =	simm.s32 $0x2;
	s20 =	simm.s32 $0x180  }
0x6: {  	s21 =	simm.s32 $0xF400;
	s22 =	simm.s32 $0x3;
	s24 =	smul.u32 $0x68000, s12  }
0x7: {  	s23 =	simm.s32 $0x5;
	s1 =	sand.u32 $0x1, s1;
	s30 =	smul.u32 $0x340000, s12  }
0x8: {  	s28 =	simm.s32 $0x8;
	s3 =	sshll.u32 s12, $0x1;
	s31 =	smul.u32 $0x1A0000, s1  }
0x9: {  	s5 =	sor.u32 s1, s3;
	s7 =	ssub.s32 $0x2, s1;
	s1 =	smul.u32 $0x34000, s1  }
0xa: {  	s29 =	simm.s32 $0x0;
	s11 =	sadd.s32 $0x600, s4;
	s6 =	smul.u32 $0x3400, s5  }
0xb: {  	s12 =	simm.s32 $0x9;
	s3 =	simm.s32 $0x0;
	s8 =	smul.u32 $0x1A0000, s5  }
0xc: {  	[smem:$0x7FF] =	sst s3;
	s9 =	sshrl.u32 s7, $0x1;
	s10 =	smul.u32 $0x34000, s5  }
0xd: {  	_ =	strace $0x80000047;
	s7 =	ssub.s32 s7, s9;
	s9 =	sadd.s32 s24, s11  }
0xe: {  	s24 =	simm.s32 $0x4;
	s25 =	sshrl.u32 s6, $0x3;
	s26 =	sshrl.u32 s8, $0x3  }
0xf: {  	s7 =	smax.u32 s7, $0x1;
	s10 =	sadd.s32 s10, s11;
	s1 =	sadd.s32 s1, s9  }
0x10: {  	s4 =	sadd.s32 s0, s25;
	s5 =	sadd.s32 s11, s26;
	s0 =	sadd.s32 s31, s30  }
0x11: {  	s8 =	sadd.s32 $0x800, s10;
	s9 =	sadd.s32 $0x1000, s10;
	s0 =	sor.u32 $0x10000, s0  }
0x12: {  	s10 =	sadd.s32 $0x1800, s1;
	s25 =	simm.s32 $0x6;
	s0 =	sshrl.u32 s0, $0x3  }
0x13: {  	s26 =	simm.s32 $0x7;
	s6 =	sadd.s32 $0x33800, s5;
	s11 =	sadd.s32 s0, s11  }
.LBB2_1:
0x14: {  	[tilespmem:s3], [sflag:$0x9] =	stream.linear.gather [hbm4b:s4+s3], $0x3400, $0x38;
	[tilespmem:$0x13400] =	vst v63  }
0x15: {  	_ =	swait.ge [sflag:s12], $0x3400  }
0x16: {  	[sflag:s12] =	ssyncset.done $0x0  }
0x17: {  	[sflag:s12] =	ssyncadd.s32 $0xFFFFCC00  }
0x18: {  	[tilespmem:s14], [sflag:$0x1] =	stream.indirect.gather [hbm4b:s2+s13], $0x80, s3, s13, $0xb8;
	[tilespmem:$0x13400] =	vst v63  }
0x19: {  	_ = 	snop  }
0x1a: {  	[tilespmem:s15], [sflag:$0x2] =	stream.indirect.gather [hbm4b:s2+s13], $0x80, s13, s13, $0xb8;
	[tilespmem:$0x13400] =	vst v63  }
0x1b: {  	_ =	swait.ge [sflag:s16], $0x4000  }
0x1c: {  	[sflag:s16] =	ssyncset.done $0x0  }
0x1d: {  	[sflag:s16] =	ssyncadd.s32 $0xFFFFC000  }
0x1e: {  	[hbm4b:s5+s3] =	stream.linear.scatter [tilespmem:s14], [sflag:$0x5], $0x4000, $0x38;
	[tilespmem:$0x13400] =	vst v63  }
0x1f: {  	s0 =	simm.s32 $0x100  }
0x20: {  	[tilespmem:s18], [sflag:$0x3] =	stream.indirect.gather [hbm4b:s2+s13], $0x80, s0, s13, $0xb8;
	[tilespmem:$0x13400] =	vst v63  }
0x21: {  	_ =	swait.ge [sflag:s19], $0x4000  }
0x22: {  	[sflag:s19] =	ssyncset.done $0x0  }
0x23: {  	[sflag:s19] =	ssyncadd.s32 $0xFFFFC000  }
0x24: {  	[hbm4b:s8+s3] =	stream.linear.scatter [tilespmem:s15], [sflag:$0x6], $0x4000, $0x38;
	[tilespmem:$0x13400] =	vst v63  }
0x25: {  	_ = 	snop  }
0x26: {  	[tilespmem:s21], [sflag:$0x4] =	stream.indirect.gather [hbm4b:s2+s13], $0x80, s20, s13, $0xb8;
	[tilespmem:$0x13400] =	vst v63  }
0x27: {  	_ =	swait.ge [sflag:s22], $0x4000  }
0x28: {  	[sflag:s22] =	ssyncset.done $0x0  }
0x29: {  	[sflag:s22] =	ssyncadd.s32 $0xFFFFC000  }
0x2a: {  	[hbm4b:s9+s3] =	stream.linear.scatter [tilespmem:s18], [sflag:$0x7], $0x4000, $0x38;
	[tilespmem:$0x13400] =	vst v63  }
0x2b: {  	_ =	swait.ge [sflag:s23], $0x4000  }
0x2c: {  	[sflag:s23] =	ssyncset.done $0x0  }
0x2d: {  	s17 =	simm.s32 $0x200;
	[sflag:s23] =	ssyncadd.s32 $0xFFFFC000  }
0x2e: {  	[tilespmem:s14], [sflag:$0x1] =	stream.indirect.gather [hbm4b:s2+s13], $0x80, s17, s13, $0xb8;
	[tilespmem:$0x13400] =	vst v63  }
0x2f: {  	_ =	swait.ge [sflag:s24], $0x4000  }
0x30: {  	[sflag:s24] =	ssyncset.done $0x0  }
0x31: {  	[sflag:s24] =	ssyncadd.s32 $0xFFFFC000  }
0x32: {  	[hbm4b:s10+s3] =	stream.linear.scatter [tilespmem:s21], [sflag:$0x8], $0x4000, $0x38;
	[tilespmem:$0x13400] =	vst v63  }
0x33: {  	_ =	swait.ge [sflag:s25], $0x4000  }
0x34: {  	[sflag:s25] =	ssyncset.done $0x0  }
0x35: {  	s1 =	simm.s32 $0x280;
	[sflag:s25] =	ssyncadd.s32 $0xFFFFC000  }
0x36: {  	[tilespmem:s15], [sflag:$0x2] =	stream.indirect.gather [hbm4b:s2+s13], $0x80, s1, s13, $0xb8;
	[tilespmem:$0x13400] =	vst v63  }
0x37: {  	_ =	swait.ge [sflag:s16], $0x4000  }
0x38: {  	[sflag:s16] =	ssyncset.done $0x0  }
0x39: {  	[sflag:s16] =	ssyncadd.s32 $0xFFFFC000  }
0x3a: {  	[hbm4b:s11+s3] =	stream.linear.scatter [tilespmem:s14], [sflag:$0x5], $0x4000, $0x38;
	[tilespmem:$0x13400] =	vst v63  }
0x3b: {  	_ =	swait.ge [sflag:s26], $0x4000  }
0x3c: {  	[sflag:s26] =	ssyncset.done $0x0  }
0x3d: {  	s17 =	simm.s32 $0x300;
	[sflag:s26] =	ssyncadd.s32 $0xFFFFC000  }
0x3e: {  	[tilespmem:s18], [sflag:$0x3] =	stream.indirect.gather [hbm4b:s2+s13], $0x80, s17, s13, $0xb8;
	[tilespmem:$0x13400] =	vst v63  }
0x3f: {  	_ =	swait.ge [sflag:s19], $0x4000  }
0x40: {  	[sflag:s19] =	ssyncset.done $0x0  }
0x41: {  	s1 =	sadd.s32 $0x1000, s10;
	[sflag:s19] =	ssyncadd.s32 $0xFFFFC000  }
0x42: {  	[hbm4b:s1+s3] =	stream.linear.scatter [tilespmem:s15], [sflag:$0x6], $0x4000, $0x38;
	[tilespmem:$0x13400] =	vst v63  }
0x43: {  	_ =	swait.ge [sflag:s28], $0x4000  }
0x44: {  	[sflag:s28] =	ssyncset.done $0x0  }
0x45: {  	s17 =	simm.s32 $0x380;
	[sflag:s28] =	ssyncadd.s32 $0xFFFFC000  }
0x46: {  	[tilespmem:s21], [sflag:$0x4] =	stream.indirect.gather [hbm4b:s2+s13], $0x80, s17, s13, $0xb8;
	[tilespmem:$0x13400] =	vst v63  }
0x47: {  	_ =	swait.ge [sflag:s22], $0x4000  }
0x48: {  	s30 =	simm.s32 $0x800;
	s31 =	sadd.s32 $0x2000, s11;
	[sflag:s22] =	ssyncset.done $0x0  }
0x49: {  	s0 =	sadd.s32 $0x1800, s10;
	s1 =	sadd.s32 $0x2000, s10;
	[sflag:s22] =	ssyncadd.s32 $0xFFFFC000  }
.LBB2_2:
0x4a: {  	[hbm4b:s0+s3] =	stream.linear.scatter [tilespmem:s18], [sflag:$0x7], $0x4000, $0x38;
	[tilespmem:$0x13400] =	vst v63  }
0x4b: {  	s0 =	smov.u32 s30  }
0x4c: {  	p0 =	sne.s32 s30, $0xC000;
	s30 =	sadd.s32 $0x800, s30;
	_ =	swait.ge [sflag:s23], $0x4000  }
0x4d: {  	s0 =	sshra.s32 s0, $0x2;
	[sflag:s23] =	ssyncset.done $0x0  }
0x4e: {  	s17 =	sadd.s32 $0x200, s0;
	[sflag:s23] =	ssyncadd.s32 $0xFFFFC000  }
0x4f: {  	[tilespmem:s14], [sflag:$0x1] =	stream.indirect.gather [hbm4b:s2+s13], $0x80, s17, s13, $0xb8;
	[tilespmem:$0x13400] =	vst v63  }
0x50: {  	_ =	swait.ge [sflag:s24], $0x4000  }
0x51: {  	[sflag:s24] =	ssyncset.done $0x0  }
0x52: {  	[sflag:s24] =	ssyncadd.s32 $0xFFFFC000  }
0x53: {  	[hbm4b:s1+s3] =	stream.linear.scatter [tilespmem:s21], [sflag:$0x8], $0x4000, $0x38;
	[tilespmem:$0x13400] =	vst v63  }
0x54: {  	_ =	swait.ge [sflag:s25], $0x4000  }
0x55: {  	[sflag:s25] =	ssyncset.done $0x0  }
0x56: {  	s17 =	sadd.s32 $0x280, s0;
	[sflag:s25] =	ssyncadd.s32 $0xFFFFC000  }
0x57: {  	[tilespmem:s15], [sflag:$0x2] =	stream.indirect.gather [hbm4b:s2+s13], $0x80, s17, s13, $0xb8;
	[tilespmem:$0x13400] =	vst v63  }
0x58: {  	_ =	swait.ge [sflag:s16], $0x4000  }
0x59: {  	[sflag:s16] =	ssyncset.done $0x0  }
0x5a: {  	[sflag:s16] =	ssyncadd.s32 $0xFFFFC000  }
0x5b: {  	[hbm4b:s31+s3] =	stream.linear.scatter [tilespmem:s14], [sflag:$0x5], $0x4000, $0x38;
	[tilespmem:$0x13400] =	vst v63  }
0x5c: {  	_ =	swait.ge [sflag:s26], $0x4000  }
0x5d: {  	[sflag:s26] =	ssyncset.done $0x0  }
0x5e: {  	s17 =	sadd.s32 $0x300, s0;
	[sflag:s26] =	ssyncadd.s32 $0xFFFFC000  }
0x5f: {  	[tilespmem:s18], [sflag:$0x3] =	stream.indirect.gather [hbm4b:s2+s13], $0x80, s17, s13, $0xb8;
	[tilespmem:$0x13400] =	vst v63  }
0x60: {  	_ =	swait.ge [sflag:s19], $0x4000  }
0x61: {  	[sflag:s19] =	ssyncset.done $0x0  }
0x62: {  	s17 =	sadd.s32 $0x1000, s1;
	[sflag:s19] =	ssyncadd.s32 $0xFFFFC000  }
0x63: {  	[hbm4b:s17+s3] =	stream.linear.scatter [tilespmem:s15], [sflag:$0x6], $0x4000, $0x38;
	[tilespmem:$0x13400] =	vst v63  }
0x64: {  	_ =	swait.ge [sflag:s28], $0x4000  }
0x65: {  	[sflag:s28] =	ssyncset.done $0x0  }
.Ltmp0:
0x66: {  	s0 =	sadd.s32 $0x380, s0;
	[sflag:s28] =	ssyncadd.s32 $0xFFFFC000;
	(pc) =	sbr.rel @p0 .LBB2_2-.Ltmp0, $4  }
0x67: {  	[tilespmem:s21], [sflag:$0x4] =	stream.indirect.gather [hbm4b:s2+s13], $0x80, s0, s13, $0xb8;
	[tilespmem:$0x13400] =	vst v63  }
0x68: {  	_ =	swait.ge [sflag:s22], $0x4000  }
0x69: {  	s31 =	sadd.s32 $0x2000, s31;
	[sflag:s22] =	ssyncset.done $0x0  }
0x6a: {  	s0 =	sadd.s32 $0x1800, s1;
	s1 =	sadd.s32 $0x2000, s1;
	[sflag:s22] =	ssyncadd.s32 $0xFFFFC000  }
0x6b: {  	[hbm4b:s0+s3] =	stream.linear.scatter [tilespmem:s18], [sflag:$0x7], $0x4000, $0x38;
	[tilespmem:$0x13400] =	vst v63  }
0x6c: {  	_ =	swait.ge [sflag:s24], $0x4000  }
0x6d: {  	[sflag:s24] =	ssyncset.done $0x0  }
0x6e: {  	[sflag:s24] =	ssyncadd.s32 $0xFFFFC000  }
0x6f: {  	[hbm4b:s6+s3] =	stream.linear.scatter [tilespmem:s21], [sflag:$0x8], $0x4000, $0x38;
	[tilespmem:$0x13400] =	vst v63  }
0x70: {  	_ =	swait.ge [sflag:s23], $0x4000  }
0x71: {  	[sflag:s23] =	ssyncset.done $0x0  }
0x72: {  	[sflag:s23] =	ssyncadd.s32 $0xFFFFC000  }
0x73: {  	_ =	swait.ge [sflag:s25], $0x4000  }
0x74: {  	[sflag:s25] =	ssyncset.done $0x0  }
0x75: {  	s29 =	sadd.s32 $0x1, s29;
	[sflag:s25] =	ssyncadd.s32 $0xFFFFC000  }
0x76: {  	p0 =	sne.s32 s29, s7;
	_ =	swait.ge [sflag:s26], $0x4000  }
.Ltmp1:
0x77: {  	[sflag:s26] =	ssyncset.done $0x0;
	(pc) =	sbr.rel @p0 .LBB2_1-.Ltmp1, $4  }
0x78: {  	[sflag:s26] =	ssyncadd.s32 $0xFFFFC000  }
0x79: {  	_ =	swait.ge [sflag:s28], $0x4000  }
0x7a: {  	[sflag:s28] =	ssyncset.done $0x0  }
0x7b: {  	[sflag:s28] =	ssyncadd.s32 $0xFFFFC000  }
0x7c: {  	_ =	sfence.sel $0x180000  }
0x7d: {  	[bflag:$0x0] =	sbarrier.arrive $0xFFFF  }
0x7e: {  	_ =	strace $0x90000047  }
0x7f: {  	s0 =	stileid.u32;
	[bflag:$0x2] =	sbarrier.arrive $0xFFFF  }
0x80: {  	p0 =	sne.s32 s0, $0x0;
	s0 =	rddreg [dreg:$0x3]  }
0x81: {  	s0 =	sadd.s32 @!p0 $0x100000, s0  }
0x82: {  	[sflag:s0] =	ssyncadd.tile.s32 @!p0 $0x1;
	_ =	shalt  }
.Lfunc_end2:
_tile_overlayer_lowered:
.L_overlay_start_2:
0x83: {  	(tag) =	ssettag $0x2  }
0x84: {  	s0 =	rddreg [dreg:$0x0];
	s2 =	stileid.u32  }
0x85: {  	s1 =	rddreg [dreg:$0x1];
	p0 =	sne.s32 s2, $0x0  }
0x86: {  	s3 =	rddreg [dreg:$0x2];
	[bflag:$0x3] =	sbarrier.arrive $0xFFFF;
	s2 =	simm.s32 @!p0 $0x1C09  }
0x87: {  	[timem:s3], [sflag:s2] =	dma.local @!p0 [hbm:s0], s1  }
0x88: {  	s0 =	simm.s32 @!p0 $0x9  }
0x89: {  	_ =	swait.ge @!p0 [sflag:s0], s1  }
0x8a: {  	s1 =	ssub.s32 @!p0 $0x0, s1;
	[sflag:s0] =	ssyncset.done @!p0 $0x0  }
0x8b: {  	[sflag:s0] =	ssyncadd.s32 @!p0 s1  }
0x8c: {  	[bflag:$0x3] =	sbarrier.arrive $0xFFFF  }
0x8d: {  	_ =	shalt  }

</sc_bundles>
